<compile_context>
chip_gen: v7x
topology: tpu7x:2x2x1
jax: 0.10.2.dev20260603
libtpu: 0.0.44.dev20260713+nightly
codegen_flags: <defaults>
</compile_context>

<pallas_src>
import functools

import jax
import jax.numpy as jnp
from jax import lax
from jax.experimental import pallas as pl
from jax.experimental.pallas import tpu as pltpu
from jax.experimental.pallas import tpu_sc as plsc

N = 1600000
S = 1024
NW = 32
BLK = 128
NBLK = N // BLK
CB = 78
CHUNK = CB * BLK
NQ = 9

_mesh = plsc.VectorSubcoreMesh(core_axis_name="c", subcore_axis_name="s")


@functools.partial(
    pl.kernel,
    mesh=_mesh,
    out_type=jax.ShapeDtypeStruct((NW * NQ * S,), jnp.float32),
    compiler_params=pltpu.CompilerParams(needs_layout_passes=False),
    scratch_types=[
        pltpu.VMEM((CHUNK,), jnp.float32),
        pltpu.VMEM((CHUNK,), jnp.float32),
        pltpu.VMEM((CHUNK,), jnp.int32),
        pltpu.VMEM((3, CHUNK), jnp.float32),
    ] + [pltpu.VMEM((S,), jnp.float32) for _ in range(NQ)],
)
def _seg_partials(pred_hbm, targ_hbm, batch_hbm, posf_hbm, out_hbm,
                  pred_v, targ_v, batch_v, pos_v, *accs):
    wid = lax.axis_index("s") * 2 + lax.axis_index("c")
    blk0 = (NBLK * wid) // NW
    blk1 = (NBLK * (wid + 1)) // NW
    nfull = (blk1 - blk0) // CB
    ntail = (blk1 - blk0) - nfull * CB

    zero16 = jnp.zeros((16,), jnp.float32)

    def zero_body(i, carry):
        for a in accs:
            a[pl.ds(i * 16, 16)] = zero16
        return carry

    lax.fori_loop(0, S // 16, zero_body, 0)

    lane = lax.iota(jnp.int32, 16)
    shift = jnp.minimum(lane + 1, 15)
    lane_lt15 = lane < 15
    lane15 = lane == 15

    def do_chunk(base_blk, nblk_chunk):
        npts = nblk_chunk * BLK
        base = pl.multiple_of(base_blk * BLK, BLK)
        pltpu.sync_copy(pred_hbm.at[pl.ds(base, npts)], pred_v.at[pl.ds(0, npts)])
        pltpu.sync_copy(targ_hbm.at[pl.ds(base, npts)], targ_v.at[pl.ds(0, npts)])
        pltpu.sync_copy(batch_hbm.at[pl.ds(base, npts)], batch_v.at[pl.ds(0, npts)])
        pltpu.sync_copy(posf_hbm.at[:, pl.ds(base, npts)], pos_v.at[:, pl.ds(0, npts)])

        def vec_body(i, inner):
            off = i * 16
            b = batch_v[pl.ds(off, 16)]
            p = pred_v[pl.ds(off, 16)]
            t = targ_v[pl.ds(off, 16)]
            px = pos_v[0, pl.ds(off, 16)]
            py = pos_v[1, pl.ds(off, 16)]
            pz = pos_v[2, pl.ds(off, 16)]
            bnext = plsc.load_gather(batch_v, [off + shift])
            m = (b != bnext) & lane_lt15
            m1 = m | lane15
            vals = (p, t, p * t, px * t, py * t, pz * t, px * p, py * p, pz * p)
            for a, vq in zip(accs, vals):
                cs = plsc.cumsum(vq)
                plsc.addupdate_scatter(a, [b], cs, mask=m1)
                plsc.addupdate_scatter(a, [bnext], -cs, mask=m)
            return inner

        lax.fori_loop(0, npts // 16, vec_body, 0)

    def chunk_body(c, carry):
        do_chunk(blk0 + c * CB, CB)
        return carry

    lax.fori_loop(0, nfull, chunk_body, 0)

    def tail_body(j, carry):
        do_chunk(blk0 + nfull * CB + j, 1)
        return carry

    lax.fori_loop(0, ntail, tail_body, 0)

    for q, a in enumerate(accs):
        pltpu.sync_copy(a, out_hbm.at[pl.ds((wid * NQ + q) * S, S)])


def _epilogue_body(parts_ref, out_ref):
    acc = jnp.sum(parts_ref[...], axis=0)
    p_sum = acc[0:1]
    t_sum = acc[1:2]
    inter = acc[2:3]
    dice = (2.0 * inter + 1.0) / (p_sum + t_sum + 1.0)
    dice_loss = jnp.sum(1.0 - dice)
    t_center = acc[3:6] / (t_sum + 1e-10)
    p_center = acc[6:9] / (p_sum + 1e-10)
    diff = t_center - p_center
    pcl = jnp.sqrt(jnp.sum(diff * diff))
    total = dice_loss + pcl
    row_i = lax.broadcasted_iota(jnp.int32, (8, 128), 0)
    col_i = lax.broadcasted_iota(jnp.int32, (8, 128), 1)
    vals = jnp.where(col_i == 0, total,
                     jnp.where(col_i == 1, dice_loss,
                               jnp.where(col_i == 2, pcl, 0.0)))
    out_ref[...] = jnp.where(row_i == 0, vals, 0.0)


def kernel(pred, target, batch, pos):
    pred = pred.reshape(-1).astype(jnp.float32)
    target = target.reshape(-1).astype(jnp.float32)
    posf = pos.astype(jnp.float32).T
    batch = batch.astype(jnp.int32)
    parts = _seg_partials(pred, target, batch, posf).reshape(NW, NQ, S)
    out = pl.pallas_call(
        _epilogue_body,
        out_shape=jax.ShapeDtypeStruct((8, 128), jnp.float32),
    )(parts)
    ce = jnp.zeros((), jnp.float32)
    return (out[0, 0], out[0, 1], out[0, 2], ce)

# --- scband reference (transcript-rebuilt; emitter-appended) ---
"""Pipeline reference for scband-segmentation-loss-func-58600533786788 (READ-ONLY COPY).

The authoritative reference and input builder live on the scoring server;
editing this copy changes nothing except your own understanding.
"""

import jax, jax.numpy as jnp
import numpy as np

N = 1600000
NUM_SEGMENTS = 1024


def setup_inputs(seed: int = 0) -> dict:
    key = jax.random.key(seed)
    k1, k2, k3, k4 = jax.random.split(key, 4)
    pred = jax.random.uniform(k1, (N,), dtype=jnp.float32)
    target = jax.random.randint(k2, (N,), 0, 2).astype(jnp.float32)
    batch = jnp.sort(jax.random.randint(k3, (N,), 0, NUM_SEGMENTS, dtype=jnp.int32))
    pos = jax.random.normal(k4, (N, 3), dtype=jnp.float32)
    return {"pred": pred, "target": target, "batch": batch, "pos": pos}


def reference(pred, target, batch, pos):
    smooth = 1.0
    alpha = 1.0
    beta = 1.0
    pred = pred.reshape(-1).astype(jnp.float32)
    target = target.reshape(-1).astype(jnp.float32)

    def seg(v):
        return jax.ops.segment_sum(v, batch, num_segments=NUM_SEGMENTS)

    # ---- DiceLoss (threshold_sum=False) ----
    intersection = seg(pred * target)
    dice = (2.0 * intersection + smooth) / (seg(pred) + seg(target) + smooth)
    dice_loss = (1.0 - dice).sum()

    # ---- PocketCenterLoss (threshold_sum=False) ----
    # torch: scatter(pos[target==1], batch[target==1], dim_size=len(unique(batch)))
    # target is binary, so masked scatter == segment_sum(pos * mask). Mask is
    # non-differentiable in torch (boolean indexing), so stop_gradient.
    mask = jax.lax.stop_gradient((target == 1.0).astype(jnp.float32))
    sum_pos_t = jax.ops.segment_sum(pos * mask[:, None], batch, num_segments=NUM_SEGMENTS)
    to_divide_t = jax.ops.segment_sum(mask, batch, num_segments=NUM_SEGMENTS)  # bincount
    target_center = sum_pos_t / (to_divide_t[:, None] + 1e-10)

    sum_pos_p = jax.ops.segment_sum(pos * pred[:, None], batch, num_segments=NUM_SEGMENTS)
    to_divide_p = seg(pred)
    pred_center = sum_pos_p / (to_divide_p[:, None] + 1e-10)
    pocket_center_loss = jnp.linalg.norm(target_center - pred_center)

    cross_entropy_loss = jnp.array(0.0, dtype=jnp.float32)
    total = alpha * dice_loss + beta * pocket_center_loss + cross_entropy_loss
    return (total, dice_loss, pocket_center_loss, cross_entropy_loss)

if __name__ == "__main__":
    import jax
    _d = setup_inputs()
    print(jax.jit(kernel)(*tuple(_d.values())))

</pallas_src>

<mosaic_0001>
#map = affine_map<(d0, d1) -> (0)>
#map1 = affine_map<(d0, d1) -> (0, 0)>
module attributes {stable_mosaic.version = 14 : i64} {
  func.func @_seg_partials(%arg0: i32, %arg1: i32, %arg2: memref<1600000xf32, #tpu.memory_space<hbm>>, %arg3: memref<1600000xf32, #tpu.memory_space<hbm>>, %arg4: memref<1600000xi32, #tpu.memory_space<hbm>>, %arg5: memref<3x1600000xf32, #tpu.memory_space<hbm>>, %arg6: memref<294912xf32, #tpu.memory_space<hbm>>, %arg7: memref<9984xf32, #tpu.memory_space<vmem>>, %arg8: memref<9984xf32, #tpu.memory_space<vmem>>, %arg9: memref<9984xi32, #tpu.memory_space<vmem>>, %arg10: memref<3x9984xf32, #tpu.memory_space<vmem>>, %arg11: memref<1024xf32, #tpu.memory_space<vmem>>, %arg12: memref<1024xf32, #tpu.memory_space<vmem>>, %arg13: memref<1024xf32, #tpu.memory_space<vmem>>, %arg14: memref<1024xf32, #tpu.memory_space<vmem>>, %arg15: memref<1024xf32, #tpu.memory_space<vmem>>, %arg16: memref<1024xf32, #tpu.memory_space<vmem>>, %arg17: memref<1024xf32, #tpu.memory_space<vmem>>, %arg18: memref<1024xf32, #tpu.memory_space<vmem>>, %arg19: memref<1024xf32, #tpu.memory_space<vmem>>) attributes {dimension_semantics = [#tpu.dimension_semantics<core_parallel>, #tpu.dimension_semantics<subcore_parallel>], iteration_bounds = array<i64: 2, 16>, scalar_prefetch = 0 : i64, scratch_operands = 13 : i64, tpu.core_type = #tpu.core_type<sc_vector_subcore>, window_params = [{transform_indices = #map}, {transform_indices = #map}, {transform_indices = #map}, {transform_indices = #map1}, {transform_indices = #map}]} {
    %mul3A = arith.constant 2 : i32
    %mul3A_0 = arith.muli %arg1, %mul3A : i32
    %add3A = arith.addi %mul3A_0, %arg0 : i32
    %mul3A_1 = arith.constant 12500 : i32
    %mul3A_2 = arith.muli %mul3A_1, %add3A : i32
    %jit3A = arith.constant 32 : i32
    %div3A = arith.divsi %mul3A_2, %jit3A : i32
    %sign3A = arith.constant 0 : i32
    %sign3A_3 = arith.cmpi sgt, %mul3A_2, %sign3A : i32
    %sign3A_4 = arith.extui %sign3A_3 : i1 to i32
    %sign3A_5 = arith.constant 0 : i32
    %sign3A_6 = arith.cmpi slt, %mul3A_2, %sign3A_5 : i32
    %sign3A_7 = arith.extui %sign3A_6 : i1 to i32
    %sign3A_8 = arith.subi %sign3A_4, %sign3A_7 : i32
    %sign3A_9 = arith.constant 0 : i32
    %sign3A_10 = arith.cmpi sgt, %jit3A, %sign3A_9 : i32
    %sign3A_11 = arith.extui %sign3A_10 : i1 to i32
    %sign3A_12 = arith.constant 0 : i32
    %sign3A_13 = arith.cmpi slt, %jit3A, %sign3A_12 : i32
    %sign3A_14 = arith.extui %sign3A_13 : i1 to i32
    %sign3A_15 = arith.subi %sign3A_11, %sign3A_14 : i32
    %ne3A = arith.cmpi ne, %sign3A_8, %sign3A_15 : i32
    %rem3A = arith.remsi %mul3A_2, %jit3A : i32
    %ne3A_16 = arith.constant 0 : i32
    %ne3A_17 = arith.cmpi ne, %rem3A, %ne3A_16 : i32
    %and3A = arith.andi %ne3A, %ne3A_17 : i1
    %sub3A = arith.constant 1 : i32
    %sub3A_18 = arith.subi %div3A, %sub3A : i32
    %select_n3A = arith.select %and3A, %sub3A_18, %div3A : i32
    %add3A_19 = arith.constant 1 : i32
    %add3A_20 = arith.addi %add3A, %add3A_19 : i32
    %mul3A_21 = arith.constant 12500 : i32
    %mul3A_22 = arith.muli %mul3A_21, %add3A_20 : i32
    %jit3A_23 = arith.constant 32 : i32
    %div3A_24 = arith.divsi %mul3A_22, %jit3A_23 : i32
    %sign3A_25 = arith.constant 0 : i32
    %sign3A_26 = arith.cmpi sgt, %mul3A_22, %sign3A_25 : i32
    %sign3A_27 = arith.extui %sign3A_26 : i1 to i32
    %sign3A_28 = arith.constant 0 : i32
    %sign3A_29 = arith.cmpi slt, %mul3A_22, %sign3A_28 : i32
    %sign3A_30 = arith.extui %sign3A_29 : i1 to i32
    %sign3A_31 = arith.subi %sign3A_27, %sign3A_30 : i32
    %sign3A_32 = arith.constant 0 : i32
    %sign3A_33 = arith.cmpi sgt, %jit3A_23, %sign3A_32 : i32
    %sign3A_34 = arith.extui %sign3A_33 : i1 to i32
    %sign3A_35 = arith.constant 0 : i32
    %sign3A_36 = arith.cmpi slt, %jit3A_23, %sign3A_35 : i32
    %sign3A_37 = arith.extui %sign3A_36 : i1 to i32
    %sign3A_38 = arith.subi %sign3A_34, %sign3A_37 : i32
    %ne3A_39 = arith.cmpi ne, %sign3A_31, %sign3A_38 : i32
    %rem3A_40 = arith.remsi %mul3A_22, %jit3A_23 : i32
    %ne3A_41 = arith.constant 0 : i32
    %ne3A_42 = arith.cmpi ne, %rem3A_40, %ne3A_41 : i32
    %and3A_43 = arith.andi %ne3A_39, %ne3A_42 : i1
    %sub3A_44 = arith.constant 1 : i32
    %sub3A_45 = arith.subi %div3A_24, %sub3A_44 : i32
    %select_n3A_46 = arith.select %and3A_43, %sub3A_45, %div3A_24 : i32
    %sub3A_47 = arith.subi %select_n3A_46, %select_n3A : i32
    %jit3A_48 = arith.constant 78 : i32
    %div3A_49 = arith.divsi %sub3A_47, %jit3A_48 : i32
    %sign3A_50 = arith.constant 0 : i32
    %sign3A_51 = arith.cmpi sgt, %sub3A_47, %sign3A_50 : i32
    %sign3A_52 = arith.extui %sign3A_51 : i1 to i32
    %sign3A_53 = arith.constant 0 : i32
    %sign3A_54 = arith.cmpi slt, %sub3A_47, %sign3A_53 : i32
    %sign3A_55 = arith.extui %sign3A_54 : i1 to i32
    %sign3A_56 = arith.subi %sign3A_52, %sign3A_55 : i32
    %sign3A_57 = arith.constant 0 : i32
    %sign3A_58 = arith.cmpi sgt, %jit3A_48, %sign3A_57 : i32
    %sign3A_59 = arith.extui %sign3A_58 : i1 to i32
    %sign3A_60 = arith.constant 0 : i32
    %sign3A_61 = arith.cmpi slt, %jit3A_48, %sign3A_60 : i32
    %sign3A_62 = arith.extui %sign3A_61 : i1 to i32
    %sign3A_63 = arith.subi %sign3A_59, %sign3A_62 : i32
    %ne3A_64 = arith.cmpi ne, %sign3A_56, %sign3A_63 : i32
    %rem3A_65 = arith.remsi %sub3A_47, %jit3A_48 : i32
    %ne3A_66 = arith.constant 0 : i32
    %ne3A_67 = arith.cmpi ne, %rem3A_65, %ne3A_66 : i32
    %and3A_68 = arith.andi %ne3A_64, %ne3A_67 : i1
    %sub3A_69 = arith.constant 1 : i32
    %sub3A_70 = arith.subi %div3A_49, %sub3A_69 : i32
    %select_n3A_71 = arith.select %and3A_68, %sub3A_70, %div3A_49 : i32
    %sub3A_72 = arith.subi %select_n3A_46, %select_n3A : i32
    %mul3A_73 = arith.constant 78 : i32
    %mul3A_74 = arith.muli %select_n3A_71, %mul3A_73 : i32
    %sub3A_75 = arith.subi %sub3A_72, %mul3A_74 : i32
    %broadcast_in_dim3A = arith.constant 0.000000e+00 : f32
    %broadcast_in_dim3A_76 = vector.broadcast %broadcast_in_dim3A : f32 to vector<16xf32>
    %scan3A = arith.constant 0 : i32
    %scan3A_77 = arith.constant 0 : i32
    %scan3A_78 = arith.constant 64 : i32
    %scan3A_79 = arith.addi %scan3A_77, %scan3A_78 : i32
    %scan3A_80 = arith.constant 1 : i32
    scf.for %scan3A_164 = %scan3A_77 to %scan3A_79 step %scan3A_80  : i32 {
      %mul3A_165 = arith.constant 16 : i32
      %mul3A_166 = arith.muli %scan3A_164, %mul3A_165 : i32
      %swap3A = arith.index_cast %mul3A_166 : i32 to index
      %swap3A_167 = tpu.vector_load %arg11[%swap3A] {strides = array<i32>} : memref<1024xf32, #tpu.memory_space<vmem>>, vector<16xf32>,
      tpu.vector_store %arg11[%swap3A], %broadcast_in_dim3A_76 {strides = array<i32>} : memref<1024xf32, #tpu.memory_space<vmem>>, vector<16xf32>,
      %mul3A_168 = arith.constant 16 : i32
      %mul3A_169 = arith.muli %scan3A_164, %mul3A_168 : i32
      %swap3A_170 = arith.index_cast %mul3A_169 : i32 to index
      %swap3A_171 = tpu.vector_load %arg12[%swap3A_170] {strides = array<i32>} : memref<1024xf32, #tpu.memory_space<vmem>>, vector<16xf32>,
      tpu.vector_store %arg12[%swap3A_170], %broadcast_in_dim3A_76 {strides = array<i32>} : memref<1024xf32, #tpu.memory_space<vmem>>, vector<16xf32>,
      %mul3A_172 = arith.constant 16 : i32
      %mul3A_173 = arith.muli %scan3A_164, %mul3A_172 : i32
      %swap3A_174 = arith.index_cast %mul3A_173 : i32 to index
      %swap3A_175 = tpu.vector_load %arg13[%swap3A_174] {strides = array<i32>} : memref<1024xf32, #tpu.memory_space<vmem>>, vector<16xf32>,
      tpu.vector_store %arg13[%swap3A_174], %broadcast_in_dim3A_76 {strides = array<i32>} : memref<1024xf32, #tpu.memory_space<vmem>>, vector<16xf32>,
      %mul3A_176 = arith.constant 16 : i32
      %mul3A_177 = arith.muli %scan3A_164, %mul3A_176 : i32
      %swap3A_178 = arith.index_cast %mul3A_177 : i32 to index
      %swap3A_179 = tpu.vector_load %arg14[%swap3A_178] {strides = array<i32>} : memref<1024xf32, #tpu.memory_space<vmem>>, vector<16xf32>,
      tpu.vector_store %arg14[%swap3A_178], %broadcast_in_dim3A_76 {strides = array<i32>} : memref<1024xf32, #tpu.memory_space<vmem>>, vector<16xf32>,
      %mul3A_180 = arith.constant 16 : i32
      %mul3A_181 = arith.muli %scan3A_164, %mul3A_180 : i32
      %swap3A_182 = arith.index_cast %mul3A_181 : i32 to index
      %swap3A_183 = tpu.vector_load %arg15[%swap3A_182] {strides = array<i32>} : memref<1024xf32, #tpu.memory_space<vmem>>, vector<16xf32>,
      tpu.vector_store %arg15[%swap3A_182], %broadcast_in_dim3A_76 {strides = array<i32>} : memref<1024xf32, #tpu.memory_space<vmem>>, vector<16xf32>,
      %mul3A_184 = arith.constant 16 : i32
      %mul3A_185 = arith.muli %scan3A_164, %mul3A_184 : i32
      %swap3A_186 = arith.index_cast %mul3A_185 : i32 to index
      %swap3A_187 = tpu.vector_load %arg16[%swap3A_186] {strides = array<i32>} : memref<1024xf32, #tpu.memory_space<vmem>>, vector<16xf32>,
      tpu.vector_store %arg16[%swap3A_186], %broadcast_in_dim3A_76 {strides = array<i32>} : memref<1024xf32, #tpu.memory_space<vmem>>, vector<16xf32>,
      %mul3A_188 = arith.constant 16 : i32
      %mul3A_189 = arith.muli %scan3A_164, %mul3A_188 : i32
      %swap3A_190 = arith.index_cast %mul3A_189 : i32 to index
      %swap3A_191 = tpu.vector_load %arg17[%swap3A_190] {strides = array<i32>} : memref<1024xf32, #tpu.memory_space<vmem>>, vector<16xf32>,
      tpu.vector_store %arg17[%swap3A_190], %broadcast_in_dim3A_76 {strides = array<i32>} : memref<1024xf32, #tpu.memory_space<vmem>>, vector<16xf32>,
      %mul3A_192 = arith.constant 16 : i32
      %mul3A_193 = arith.muli %scan3A_164, %mul3A_192 : i32
      %swap3A_194 = arith.index_cast %mul3A_193 : i32 to index
      %swap3A_195 = tpu.vector_load %arg18[%swap3A_194] {strides = array<i32>} : memref<1024xf32, #tpu.memory_space<vmem>>, vector<16xf32>,
      tpu.vector_store %arg18[%swap3A_194], %broadcast_in_dim3A_76 {strides = array<i32>} : memref<1024xf32, #tpu.memory_space<vmem>>, vector<16xf32>,
      %mul3A_196 = arith.constant 16 : i32
      %mul3A_197 = arith.muli %scan3A_164, %mul3A_196 : i32
      %swap3A_198 = arith.index_cast %mul3A_197 : i32 to index
      %swap3A_199 = tpu.vector_load %arg19[%swap3A_198] {strides = array<i32>} : memref<1024xf32, #tpu.memory_space<vmem>>, vector<16xf32>,
      tpu.vector_store %arg19[%swap3A_198], %broadcast_in_dim3A_76 {strides = array<i32>} : memref<1024xf32, #tpu.memory_space<vmem>>, vector<16xf32>,
    }
    %scan3A_81 = arith.constant 64 : i32
    %iota3A = tpu.iota {dimensions = array<i32: 0>} : vector<16xi32>
    %add3A_82 = arith.constant 1 : i32
    %add3A_83 = vector.broadcast %add3A_82 : i32 to vector<16xi32>
    %add3A_84 = arith.addi %iota3A, %add3A_83 : vector<16xi32>
    %min3A = arith.constant 15 : i32
    %min3A_85 = vector.broadcast %min3A : i32 to vector<16xi32>
    %min3A_86 = arith.minsi %add3A_84, %min3A_85 : vector<16xi32>
    %lt3A = arith.constant 15 : i32
    %lt3A_87 = vector.broadcast %lt3A : i32 to vector<16xi32>
    %lt3A_88 = arith.cmpi slt, %iota3A, %lt3A_87 : vector<16xi32>
    %eq3A = arith.constant 15 : i32
    %eq3A_89 = vector.broadcast %eq3A : i32 to vector<16xi32>
    %eq3A_90 = arith.cmpi eq, %iota3A, %eq3A_89 : vector<16xi32>
    %while3A = arith.constant 0 : i32
    %while3A_91 = arith.constant 0 : i32
    %while3A_92 = arith.subi %select_n3A_71, %while3A_91 : i32
    %while3A_93 = arith.addi %while3A_91, %while3A_92 : i32
    %while3A_94 = arith.constant 1 : i32
    %while3A_95 = arith.divsi %while3A_92, %while3A_94 : i32
    %while3A_96 = arith.muli %while3A_95, %while3A_94 : i32
    %while3A_97 = arith.addi %while3A_91, %while3A_96 : i32
    %while3A_98 = arith.constant 1 : i32
    scf.for %while3A_164 = %while3A_91 to %while3A_97 step %while3A_98  : i32 {
      %mul3A_165 = arith.constant 78 : i32
      %mul3A_166 = arith.muli %while3A_164, %mul3A_165 : i32
      %add3A_167 = arith.addi %select_n3A, %mul3A_166 : i32
      %mul3A_168 = arith.constant 128 : i32
      %mul3A_169 = arith.muli %add3A_167, %mul3A_168 : i32
      %multiple_of3A = tpu.assume_multiple %mul3A_169, 128 : i32
      "tpu.region"() ({
        %run_scoped3A = tpu.sem_alloc : memref<!tpu.dma_semaphore, #tpu.memory_space<semaphore_mem>>
        %dma_start3A = arith.constant 0 : i32
        %dma_start3A_176 = tpu.memref_slice %arg7[%dma_start3A] : memref<9984xf32, #tpu.memory_space<vmem>> -> memref<9984xf32, #tpu.memory_space<vmem>>
        %dma_start3A_177 = tpu.memref_slice %arg2[%multiple_of3A] : memref<1600000xf32, #tpu.memory_space<hbm>> -> memref<9984xf32, #tpu.memory_space<hbm>>
        %dma_start3A_178 = arith.constant 0 : i32
        %dma_start3A_179 = tpu.memref_slice %arg7[%dma_start3A_178] : memref<9984xf32, #tpu.memory_space<vmem>> -> memref<9984xf32, #tpu.memory_space<vmem>>
        %dma_start3A_180 = tpu.memref_slice %arg2[%multiple_of3A] : memref<1600000xf32, #tpu.memory_space<hbm>> -> memref<9984xf32, #tpu.memory_space<hbm>>
        tpu.enqueue_dma source(%dma_start3A_180 : memref<9984xf32, #tpu.memory_space<hbm>>) target(%dma_start3A_179 : memref<9984xf32, #tpu.memory_space<vmem>>) target_semaphore(%run_scoped3A : memref<!tpu.dma_semaphore, #tpu.memory_space<semaphore_mem>>)
        %dma_wait3A = arith.constant 0 : i32
        %dma_wait3A_181 = tpu.memref_slice %arg7[%dma_wait3A] : memref<9984xf32, #tpu.memory_space<vmem>> -> memref<9984xf32, #tpu.memory_space<vmem>>
        %dma_wait3A_182 = tpu.memref_slice %arg2[%multiple_of3A] : memref<1600000xf32, #tpu.memory_space<hbm>> -> memref<9984xf32, #tpu.memory_space<hbm>>
        %dma_wait3A_183 = arith.constant 0 : i32
        %dma_wait3A_184 = tpu.memref_slice %arg7[%dma_wait3A_183] : memref<9984xf32, #tpu.memory_space<vmem>> -> memref<9984xf32, #tpu.memory_space<vmem>>
        %dma_wait3A_185 = tpu.memref_slice %arg2[%multiple_of3A] : memref<1600000xf32, #tpu.memory_space<hbm>> -> memref<9984xf32, #tpu.memory_space<hbm>>
        tpu.wait_dma2 semaphore(%run_scoped3A : memref<!tpu.dma_semaphore, #tpu.memory_space<semaphore_mem>>) src(%dma_wait3A_185 : memref<9984xf32, #tpu.memory_space<hbm>>) dst(%dma_wait3A_184 : memref<9984xf32, #tpu.memory_space<vmem>>)
        tpu.yield
      }) : () -> ()
      "tpu.region"() ({
        %run_scoped3A = tpu.sem_alloc : memref<!tpu.dma_semaphore, #tpu.memory_space<semaphore_mem>>
        %dma_start3A = arith.constant 0 : i32
        %dma_start3A_176 = tpu.memref_slice %arg8[%dma_start3A] : memref<9984xf32, #tpu.memory_space<vmem>> -> memref<9984xf32, #tpu.memory_space<vmem>>
        %dma_start3A_177 = tpu.memref_slice %arg3[%multiple_of3A] : memref<1600000xf32, #tpu.memory_space<hbm>> -> memref<9984xf32, #tpu.memory_space<hbm>>
        %dma_start3A_178 = arith.constant 0 : i32
        %dma_start3A_179 = tpu.memref_slice %arg8[%dma_start3A_178] : memref<9984xf32, #tpu.memory_space<vmem>> -> memref<9984xf32, #tpu.memory_space<vmem>>
        %dma_start3A_180 = tpu.memref_slice %arg3[%multiple_of3A] : memref<1600000xf32, #tpu.memory_space<hbm>> -> memref<9984xf32, #tpu.memory_space<hbm>>
        tpu.enqueue_dma source(%dma_start3A_180 : memref<9984xf32, #tpu.memory_space<hbm>>) target(%dma_start3A_179 : memref<9984xf32, #tpu.memory_space<vmem>>) target_semaphore(%run_scoped3A : memref<!tpu.dma_semaphore, #tpu.memory_space<semaphore_mem>>)
        %dma_wait3A = arith.constant 0 : i32
        %dma_wait3A_181 = tpu.memref_slice %arg8[%dma_wait3A] : memref<9984xf32, #tpu.memory_space<vmem>> -> memref<9984xf32, #tpu.memory_space<vmem>>
        %dma_wait3A_182 = tpu.memref_slice %arg3[%multiple_of3A] : memref<1600000xf32, #tpu.memory_space<hbm>> -> memref<9984xf32, #tpu.memory_space<hbm>>
        %dma_wait3A_183 = arith.constant 0 : i32
        %dma_wait3A_184 = tpu.memref_slice %arg8[%dma_wait3A_183] : memref<9984xf32, #tpu.memory_space<vmem>> -> memref<9984xf32, #tpu.memory_space<vmem>>
        %dma_wait3A_185 = tpu.memref_slice %arg3[%multiple_of3A] : memref<1600000xf32, #tpu.memory_space<hbm>> -> memref<9984xf32, #tpu.memory_space<hbm>>
        tpu.wait_dma2 semaphore(%run_scoped3A : memref<!tpu.dma_semaphore, #tpu.memory_space<semaphore_mem>>) src(%dma_wait3A_185 : memref<9984xf32, #tpu.memory_space<hbm>>) dst(%dma_wait3A_184 : memref<9984xf32, #tpu.memory_space<vmem>>)
        tpu.yield
      }) : () -> ()
      "tpu.region"() ({
        %run_scoped3A = tpu.sem_alloc : memref<!tpu.dma_semaphore, #tpu.memory_space<semaphore_mem>>
        %dma_start3A = arith.constant 0 : i32
        %dma_start3A_176 = tpu.memref_slice %arg9[%dma_start3A] : memref<9984xi32, #tpu.memory_space<vmem>> -> memref<9984xi32, #tpu.memory_space<vmem>>
        %dma_start3A_177 = tpu.memref_slice %arg4[%multiple_of3A] : memref<1600000xi32, #tpu.memory_space<hbm>> -> memref<9984xi32, #tpu.memory_space<hbm>>
        %dma_start3A_178 = arith.constant 0 : i32
        %dma_start3A_179 = tpu.memref_slice %arg9[%dma_start3A_178] : memref<9984xi32, #tpu.memory_space<vmem>> -> memref<9984xi32, #tpu.memory_space<vmem>>
        %dma_start3A_180 = tpu.memref_slice %arg4[%multiple_of3A] : memref<1600000xi32, #tpu.memory_space<hbm>> -> memref<9984xi32, #tpu.memory_space<hbm>>
        tpu.enqueue_dma source(%dma_start3A_180 : memref<9984xi32, #tpu.memory_space<hbm>>) target(%dma_start3A_179 : memref<9984xi32, #tpu.memory_space<vmem>>) target_semaphore(%run_scoped3A : memref<!tpu.dma_semaphore, #tpu.memory_space<semaphore_mem>>)
        %dma_wait3A = arith.constant 0 : i32
        %dma_wait3A_181 = tpu.memref_slice %arg9[%dma_wait3A] : memref<9984xi32, #tpu.memory_space<vmem>> -> memref<9984xi32, #tpu.memory_space<vmem>>
        %dma_wait3A_182 = tpu.memref_slice %arg4[%multiple_of3A] : memref<1600000xi32, #tpu.memory_space<hbm>> -> memref<9984xi32, #tpu.memory_space<hbm>>
        %dma_wait3A_183 = arith.constant 0 : i32
        %dma_wait3A_184 = tpu.memref_slice %arg9[%dma_wait3A_183] : memref<9984xi32, #tpu.memory_space<vmem>> -> memref<9984xi32, #tpu.memory_space<vmem>>
        %dma_wait3A_185 = tpu.memref_slice %arg4[%multiple_of3A] : memref<1600000xi32, #tpu.memory_space<hbm>> -> memref<9984xi32, #tpu.memory_space<hbm>>
        tpu.wait_dma2 semaphore(%run_scoped3A : memref<!tpu.dma_semaphore, #tpu.memory_space<semaphore_mem>>) src(%dma_wait3A_185 : memref<9984xi32, #tpu.memory_space<hbm>>) dst(%dma_wait3A_184 : memref<9984xi32, #tpu.memory_space<vmem>>)
        tpu.yield
      }) : () -> ()
      "tpu.region"() ({
        %run_scoped3A = tpu.sem_alloc : memref<!tpu.dma_semaphore, #tpu.memory_space<semaphore_mem>>
        %dma_start3A = arith.constant 0 : i32
        %dma_start3A_176 = arith.constant 0 : i32
        %dma_start3A_177 = tpu.memref_slice %arg10[%dma_start3A, %dma_start3A_176] : memref<3x9984xf32, #tpu.memory_space<vmem>> -> memref<3x9984xf32, #tpu.memory_space<vmem>>
        %dma_start3A_178 = arith.constant 0 : i32
        %dma_start3A_179 = tpu.memref_slice %arg5[%dma_start3A_178, %multiple_of3A] : memref<3x1600000xf32, #tpu.memory_space<hbm>> -> memref<3x9984xf32, #tpu.memory_space<hbm>>
        %dma_start3A_180 = arith.constant 0 : i32
        %dma_start3A_181 = arith.constant 0 : i32
        %dma_start3A_182 = tpu.memref_slice %arg10[%dma_start3A_180, %dma_start3A_181] : memref<3x9984xf32, #tpu.memory_space<vmem>> -> memref<3x9984xf32, #tpu.memory_space<vmem>>
        %dma_start3A_183 = arith.constant 0 : i32
        %dma_start3A_184 = tpu.memref_slice %arg5[%dma_start3A_183, %multiple_of3A] : memref<3x1600000xf32, #tpu.memory_space<hbm>> -> memref<3x9984xf32, #tpu.memory_space<hbm>>
        tpu.enqueue_dma source(%dma_start3A_184 : memref<3x9984xf32, #tpu.memory_space<hbm>>) target(%dma_start3A_182 : memref<3x9984xf32, #tpu.memory_space<vmem>>) target_semaphore(%run_scoped3A : memref<!tpu.dma_semaphore, #tpu.memory_space<semaphore_mem>>)
        %dma_wait3A = arith.constant 0 : i32
        %dma_wait3A_185 = arith.constant 0 : i32
        %dma_wait3A_186 = tpu.memref_slice %arg10[%dma_wait3A, %dma_wait3A_185] : memref<3x9984xf32, #tpu.memory_space<vmem>> -> memref<3x9984xf32, #tpu.memory_space<vmem>>
        %dma_wait3A_187 = arith.constant 0 : i32
        %dma_wait3A_188 = tpu.memref_slice %arg5[%dma_wait3A_187, %multiple_of3A] : memref<3x1600000xf32, #tpu.memory_space<hbm>> -> memref<3x9984xf32, #tpu.memory_space<hbm>>
        %dma_wait3A_189 = arith.constant 0 : i32
        %dma_wait3A_190 = arith.constant 0 : i32
        %dma_wait3A_191 = tpu.memref_slice %arg10[%dma_wait3A_189, %dma_wait3A_190] : memref<3x9984xf32, #tpu.memory_space<vmem>> -> memref<3x9984xf32, #tpu.memory_space<vmem>>
        %dma_wait3A_192 = arith.constant 0 : i32
        %dma_wait3A_193 = tpu.memref_slice %arg5[%dma_wait3A_192, %multiple_of3A] : memref<3x1600000xf32, #tpu.memory_space<hbm>> -> memref<3x9984xf32, #tpu.memory_space<hbm>>
        tpu.wait_dma2 semaphore(%run_scoped3A : memref<!tpu.dma_semaphore, #tpu.memory_space<semaphore_mem>>) src(%dma_wait3A_193 : memref<3x9984xf32, #tpu.memory_space<hbm>>) dst(%dma_wait3A_191 : memref<3x9984xf32, #tpu.memory_space<vmem>>)
        tpu.yield
      }) : () -> ()
      %scan3A_170 = arith.constant 0 : i32
      %scan3A_171 = arith.constant 0 : i32
      %scan3A_172 = arith.constant 624 : i32
      %scan3A_173 = arith.addi %scan3A_171, %scan3A_172 : i32
      %scan3A_174 = arith.constant 1 : i32
      scf.for %scan3A_176 = %scan3A_171 to %scan3A_173 step %scan3A_174  : i32 {
        %mul3A_177 = arith.constant 16 : i32
        %mul3A_178 = arith.muli %scan3A_176, %mul3A_177 : i32
        %get3A = arith.index_cast %mul3A_178 : i32 to index
        %get3A_179 = tpu.vector_load %arg9[%get3A] {strides = array<i32>} : memref<9984xi32, #tpu.memory_space<vmem>>, vector<16xi32>,
        %get3A_180 = arith.index_cast %mul3A_178 : i32 to index
        %get3A_181 = tpu.vector_load %arg7[%get3A_180] {strides = array<i32>} : memref<9984xf32, #tpu.memory_space<vmem>>, vector<16xf32>,
        %get3A_182 = arith.index_cast %mul3A_178 : i32 to index
        %get3A_183 = tpu.vector_load %arg8[%get3A_182] {strides = array<i32>} : memref<9984xf32, #tpu.memory_space<vmem>>, vector<16xf32>,
        %get3A_184 = arith.constant 0 : i32
        %get3A_185 = arith.index_cast %get3A_184 : i32 to index
        %get3A_186 = arith.index_cast %mul3A_178 : i32 to index
        %get3A_187 = tpu.vector_load %arg10[%get3A_185, %get3A_186] {strides = array<i32>} : memref<3x9984xf32, #tpu.memory_space<vmem>>, vector<16xf32>,
        %get3A_188 = arith.constant 1 : i32
        %get3A_189 = arith.index_cast %get3A_188 : i32 to index
        %get3A_190 = arith.index_cast %mul3A_178 : i32 to index
        %get3A_191 = tpu.vector_load %arg10[%get3A_189, %get3A_190] {strides = array<i32>} : memref<3x9984xf32, #tpu.memory_space<vmem>>, vector<16xf32>,
        %get3A_192 = arith.constant 2 : i32
        %get3A_193 = arith.index_cast %get3A_192 : i32 to index
        %get3A_194 = arith.index_cast %mul3A_178 : i32 to index
        %get3A_195 = tpu.vector_load %arg10[%get3A_193, %get3A_194] {strides = array<i32>} : memref<3x9984xf32, #tpu.memory_space<vmem>>, vector<16xf32>,
        %add3A_196 = vector.broadcast %mul3A_178 : i32 to vector<16xi32>
        %add3A_197 = arith.addi %add3A_196, %min3A_86 : vector<16xi32>
        %gather3A = tpu.vector_load_idx %arg9[%add3A_197] : memref<9984xi32, #tpu.memory_space<vmem>>[vector<16xi32>], vector<16xi32>,
        %ne3A_198 = arith.cmpi ne, %get3A_179, %gather3A : vector<16xi32>
        %and3A_199 = arith.andi %ne3A_198, %lt3A_88 : vector<16xi1>
        %or3A = arith.ori %and3A_199, %eq3A_90 : vector<16xi1>
        %mul3A_200 = arith.mulf %get3A_181, %get3A_183 : vector<16xf32>
        %mul3A_201 = arith.mulf %get3A_187, %get3A_183 : vector<16xf32>
        %mul3A_202 = arith.mulf %get3A_191, %get3A_183 : vector<16xf32>
        %mul3A_203 = arith.mulf %get3A_195, %get3A_183 : vector<16xf32>
        %mul3A_204 = arith.mulf %get3A_187, %get3A_181 : vector<16xf32>
        %mul3A_205 = arith.mulf %get3A_191, %get3A_181 : vector<16xf32>
        %mul3A_206 = arith.mulf %get3A_195, %get3A_181 : vector<16xf32>
        %broadcast_in_dim3A_207 = arith.constant true
        %broadcast_in_dim3A_208 = vector.broadcast %broadcast_in_dim3A_207 : i1 to vector<16xi1>
        %masked_cumsum3A = tpu.scan <sum>, %get3A_181 masked %broadcast_in_dim3A_208 : vector<16xf32>, vector<16xi1> -> vector<16xf32>
        tpu.vector_store_idx %arg11[%get3A_179], %masked_cumsum3A masked %or3A {add = true} : memref<1024xf32, #tpu.memory_space<vmem>>[vector<16xi32>], vector<16xf32>, vector<16xi1>
        %neg3A = arith.constant 0.000000e+00 : f32
        %neg3A_209 = vector.broadcast %neg3A : f32 to vector<16xf32>
        %neg3A_210 = arith.subf %neg3A_209, %masked_cumsum3A : vector<16xf32>
        tpu.vector_store_idx %arg11[%gather3A], %neg3A_210 masked %and3A_199 {add = true} : memref<1024xf32, #tpu.memory_space<vmem>>[vector<16xi32>], vector<16xf32>, vector<16xi1>
        %broadcast_in_dim3A_211 = arith.constant true
        %broadcast_in_dim3A_212 = vector.broadcast %broadcast_in_dim3A_211 : i1 to vector<16xi1>
        %masked_cumsum3A_213 = tpu.scan <sum>, %get3A_183 masked %broadcast_in_dim3A_212 : vector<16xf32>, vector<16xi1> -> vector<16xf32>
        tpu.vector_store_idx %arg12[%get3A_179], %masked_cumsum3A_213 masked %or3A {add = true} : memref<1024xf32, #tpu.memory_space<vmem>>[vector<16xi32>], vector<16xf32>, vector<16xi1>
        %neg3A_214 = arith.constant 0.000000e+00 : f32
        %neg3A_215 = vector.broadcast %neg3A_214 : f32 to vector<16xf32>
        %neg3A_216 = arith.subf %neg3A_215, %masked_cumsum3A_213 : vector<16xf32>
        tpu.vector_store_idx %arg12[%gather3A], %neg3A_216 masked %and3A_199 {add = true} : memref<1024xf32, #tpu.memory_space<vmem>>[vector<16xi32>], vector<16xf32>, vector<16xi1>
        %broadcast_in_dim3A_217 = arith.constant true
        %broadcast_in_dim3A_218 = vector.broadcast %broadcast_in_dim3A_217 : i1 to vector<16xi1>
        %masked_cumsum3A_219 = tpu.scan <sum>, %mul3A_200 masked %broadcast_in_dim3A_218 : vector<16xf32>, vector<16xi1> -> vector<16xf32>
        tpu.vector_store_idx %arg13[%get3A_179], %masked_cumsum3A_219 masked %or3A {add = true} : memref<1024xf32, #tpu.memory_space<vmem>>[vector<16xi32>], vector<16xf32>, vector<16xi1>
        %neg3A_220 = arith.constant 0.000000e+00 : f32
        %neg3A_221 = vector.broadcast %neg3A_220 : f32 to vector<16xf32>
        %neg3A_222 = arith.subf %neg3A_221, %masked_cumsum3A_219 : vector<16xf32>
        tpu.vector_store_idx %arg13[%gather3A], %neg3A_222 masked %and3A_199 {add = true} : memref<1024xf32, #tpu.memory_space<vmem>>[vector<16xi32>], vector<16xf32>, vector<16xi1>
        %broadcast_in_dim3A_223 = arith.constant true
        %broadcast_in_dim3A_224 = vector.broadcast %broadcast_in_dim3A_223 : i1 to vector<16xi1>
        %masked_cumsum3A_225 = tpu.scan <sum>, %mul3A_201 masked %broadcast_in_dim3A_224 : vector<16xf32>, vector<16xi1> -> vector<16xf32>
        tpu.vector_store_idx %arg14[%get3A_179], %masked_cumsum3A_225 masked %or3A {add = true} : memref<1024xf32, #tpu.memory_space<vmem>>[vector<16xi32>], vector<16xf32>, vector<16xi1>
        %neg3A_226 = arith.constant 0.000000e+00 : f32
        %neg3A_227 = vector.broadcast %neg3A_226 : f32 to vector<16xf32>
        %neg3A_228 = arith.subf %neg3A_227, %masked_cumsum3A_225 : vector<16xf32>
        tpu.vector_store_idx %arg14[%gather3A], %neg3A_228 masked %and3A_199 {add = true} : memref<1024xf32, #tpu.memory_space<vmem>>[vector<16xi32>], vector<16xf32>, vector<16xi1>
        %broadcast_in_dim3A_229 = arith.constant true
        %broadcast_in_dim3A_230 = vector.broadcast %broadcast_in_dim3A_229 : i1 to vector<16xi1>
        %masked_cumsum3A_231 = tpu.scan <sum>, %mul3A_202 masked %broadcast_in_dim3A_230 : vector<16xf32>, vector<16xi1> -> vector<16xf32>
        tpu.vector_store_idx %arg15[%get3A_179], %masked_cumsum3A_231 masked %or3A {add = true} : memref<1024xf32, #tpu.memory_space<vmem>>[vector<16xi32>], vector<16xf32>, vector<16xi1>
        %neg3A_232 = arith.constant 0.000000e+00 : f32
        %neg3A_233 = vector.broadcast %neg3A_232 : f32 to vector<16xf32>
        %neg3A_234 = arith.subf %neg3A_233, %masked_cumsum3A_231 : vector<16xf32>
        tpu.vector_store_idx %arg15[%gather3A], %neg3A_234 masked %and3A_199 {add = true} : memref<1024xf32, #tpu.memory_space<vmem>>[vector<16xi32>], vector<16xf32>, vector<16xi1>
        %broadcast_in_dim3A_235 = arith.constant true
        %broadcast_in_dim3A_236 = vector.broadcast %broadcast_in_dim3A_235 : i1 to vector<16xi1>
        %masked_cumsum3A_237 = tpu.scan <sum>, %mul3A_203 masked %broadcast_in_dim3A_236 : vector<16xf32>, vector<16xi1> -> vector<16xf32>
        tpu.vector_store_idx %arg16[%get3A_179], %masked_cumsum3A_237 masked %or3A {add = true} : memref<1024xf32, #tpu.memory_space<vmem>>[vector<16xi32>], vector<16xf32>, vector<16xi1>
        %neg3A_238 = arith.constant 0.000000e+00 : f32
        %neg3A_239 = vector.broadcast %neg3A_238 : f32 to vector<16xf32>
        %neg3A_240 = arith.subf %neg3A_239, %masked_cumsum3A_237 : vector<16xf32>
        tpu.vector_store_idx %arg16[%gather3A], %neg3A_240 masked %and3A_199 {add = true} : memref<1024xf32, #tpu.memory_space<vmem>>[vector<16xi32>], vector<16xf32>, vector<16xi1>
        %broadcast_in_dim3A_241 = arith.constant true
        %broadcast_in_dim3A_242 = vector.broadcast %broadcast_in_dim3A_241 : i1 to vector<16xi1>
        %masked_cumsum3A_243 = tpu.scan <sum>, %mul3A_204 masked %broadcast_in_dim3A_242 : vector<16xf32>, vector<16xi1> -> vector<16xf32>
        tpu.vector_store_idx %arg17[%get3A_179], %masked_cumsum3A_243 masked %or3A {add = true} : memref<1024xf32, #tpu.memory_space<vmem>>[vector<16xi32>], vector<16xf32>, vector<16xi1>
        %neg3A_244 = arith.constant 0.000000e+00 : f32
        %neg3A_245 = vector.broadcast %neg3A_244 : f32 to vector<16xf32>
        %neg3A_246 = arith.subf %neg3A_245, %masked_cumsum3A_243 : vector<16xf32>
        tpu.vector_store_idx %arg17[%gather3A], %neg3A_246 masked %and3A_199 {add = true} : memref<1024xf32, #tpu.memory_space<vmem>>[vector<16xi32>], vector<16xf32>, vector<16xi1>
        %broadcast_in_dim3A_247 = arith.constant true
        %broadcast_in_dim3A_248 = vector.broadcast %broadcast_in_dim3A_247 : i1 to vector<16xi1>
        %masked_cumsum3A_249 = tpu.scan <sum>, %mul3A_205 masked %broadcast_in_dim3A_248 : vector<16xf32>, vector<16xi1> -> vector<16xf32>
        tpu.vector_store_idx %arg18[%get3A_179], %masked_cumsum3A_249 masked %or3A {add = true} : memref<1024xf32, #tpu.memory_space<vmem>>[vector<16xi32>], vector<16xf32>, vector<16xi1>
        %neg3A_250 = arith.constant 0.000000e+00 : f32
        %neg3A_251 = vector.broadcast %neg3A_250 : f32 to vector<16xf32>
        %neg3A_252 = arith.subf %neg3A_251, %masked_cumsum3A_249 : vector<16xf32>
        tpu.vector_store_idx %arg18[%gather3A], %neg3A_252 masked %and3A_199 {add = true} : memref<1024xf32, #tpu.memory_space<vmem>>[vector<16xi32>], vector<16xf32>, vector<16xi1>
        %broadcast_in_dim3A_253 = arith.constant true
        %broadcast_in_dim3A_254 = vector.broadcast %broadcast_in_dim3A_253 : i1 to vector<16xi1>
        %masked_cumsum3A_255 = tpu.scan <sum>, %mul3A_206 masked %broadcast_in_dim3A_254 : vector<16xf32>, vector<16xi1> -> vector<16xf32>
        tpu.vector_store_idx %arg19[%get3A_179], %masked_cumsum3A_255 masked %or3A {add = true} : memref<1024xf32, #tpu.memory_space<vmem>>[vector<16xi32>], vector<16xf32>, vector<16xi1>
        %neg3A_256 = arith.constant 0.000000e+00 : f32
        %neg3A_257 = vector.broadcast %neg3A_256 : f32 to vector<16xf32>
        %neg3A_258 = arith.subf %neg3A_257, %masked_cumsum3A_255 : vector<16xf32>
        tpu.vector_store_idx %arg19[%gather3A], %neg3A_258 masked %and3A_199 {add = true} : memref<1024xf32, #tpu.memory_space<vmem>>[vector<16xi32>], vector<16xf32>, vector<16xi1>
      }
      %scan3A_175 = arith.constant 624 : i32
    }
    %while3A_99 = arith.constant 1 : i32
    scf.for %while3A_164 = %while3A_97 to %while3A_93 step %while3A_99  : i32 {
      %mul3A_165 = arith.constant 78 : i32
      %mul3A_166 = arith.muli %while3A_164, %mul3A_165 : i32
      %add3A_167 = arith.addi %select_n3A, %mul3A_166 : i32
      %mul3A_168 = arith.constant 128 : i32
      %mul3A_169 = arith.muli %add3A_167, %mul3A_168 : i32
      %multiple_of3A = tpu.assume_multiple %mul3A_169, 128 : i32
      "tpu.region"() ({
        %run_scoped3A = tpu.sem_alloc : memref<!tpu.dma_semaphore, #tpu.memory_space<semaphore_mem>>
        %dma_start3A = arith.constant 0 : i32
        %dma_start3A_176 = tpu.memref_slice %arg7[%dma_start3A] : memref<9984xf32, #tpu.memory_space<vmem>> -> memref<9984xf32, #tpu.memory_space<vmem>>
        %dma_start3A_177 = tpu.memref_slice %arg2[%multiple_of3A] : memref<1600000xf32, #tpu.memory_space<hbm>> -> memref<9984xf32, #tpu.memory_space<hbm>>
        %dma_start3A_178 = arith.constant 0 : i32
        %dma_start3A_179 = tpu.memref_slice %arg7[%dma_start3A_178] : memref<9984xf32, #tpu.memory_space<vmem>> -> memref<9984xf32, #tpu.memory_space<vmem>>
        %dma_start3A_180 = tpu.memref_slice %arg2[%multiple_of3A] : memref<1600000xf32, #tpu.memory_space<hbm>> -> memref<9984xf32, #tpu.memory_space<hbm>>
        tpu.enqueue_dma source(%dma_start3A_180 : memref<9984xf32, #tpu.memory_space<hbm>>) target(%dma_start3A_179 : memref<9984xf32, #tpu.memory_space<vmem>>) target_semaphore(%run_scoped3A : memref<!tpu.dma_semaphore, #tpu.memory_space<semaphore_mem>>)
        %dma_wait3A = arith.constant 0 : i32
        %dma_wait3A_181 = tpu.memref_slice %arg7[%dma_wait3A] : memref<9984xf32, #tpu.memory_space<vmem>> -> memref<9984xf32, #tpu.memory_space<vmem>>
        %dma_wait3A_182 = tpu.memref_slice %arg2[%multiple_of3A] : memref<1600000xf32, #tpu.memory_space<hbm>> -> memref<9984xf32, #tpu.memory_space<hbm>>
        %dma_wait3A_183 = arith.constant 0 : i32
        %dma_wait3A_184 = tpu.memref_slice %arg7[%dma_wait3A_183] : memref<9984xf32, #tpu.memory_space<vmem>> -> memref<9984xf32, #tpu.memory_space<vmem>>
        %dma_wait3A_185 = tpu.memref_slice %arg2[%multiple_of3A] : memref<1600000xf32, #tpu.memory_space<hbm>> -> memref<9984xf32, #tpu.memory_space<hbm>>
        tpu.wait_dma2 semaphore(%run_scoped3A : memref<!tpu.dma_semaphore, #tpu.memory_space<semaphore_mem>>) src(%dma_wait3A_185 : memref<9984xf32, #tpu.memory_space<hbm>>) dst(%dma_wait3A_184 : memref<9984xf32, #tpu.memory_space<vmem>>)
        tpu.yield
      }) : () -> ()
      "tpu.region"() ({
        %run_scoped3A = tpu.sem_alloc : memref<!tpu.dma_semaphore, #tpu.memory_space<semaphore_mem>>
        %dma_start3A = arith.constant 0 : i32
        %dma_start3A_176 = tpu.memref_slice %arg8[%dma_start3A] : memref<9984xf32, #tpu.memory_space<vmem>> -> memref<9984xf32, #tpu.memory_space<vmem>>
        %dma_start3A_177 = tpu.memref_slice %arg3[%multiple_of3A] : memref<1600000xf32, #tpu.memory_space<hbm>> -> memref<9984xf32, #tpu.memory_space<hbm>>
        %dma_start3A_178 = arith.constant 0 : i32
        %dma_start3A_179 = tpu.memref_slice %arg8[%dma_start3A_178] : memref<9984xf32, #tpu.memory_space<vmem>> -> memref<9984xf32, #tpu.memory_space<vmem>>
        %dma_start3A_180 = tpu.memref_slice %arg3[%multiple_of3A] : memref<1600000xf32, #tpu.memory_space<hbm>> -> memref<9984xf32, #tpu.memory_space<hbm>>
        tpu.enqueue_dma source(%dma_start3A_180 : memref<9984xf32, #tpu.memory_space<hbm>>) target(%dma_start3A_179 : memref<9984xf32, #tpu.memory_space<vmem>>) target_semaphore(%run_scoped3A : memref<!tpu.dma_semaphore, #tpu.memory_space<semaphore_mem>>)
        %dma_wait3A = arith.constant 0 : i32
        %dma_wait3A_181 = tpu.memref_slice %arg8[%dma_wait3A] : memref<9984xf32, #tpu.memory_space<vmem>> -> memref<9984xf32, #tpu.memory_space<vmem>>
        %dma_wait3A_182 = tpu.memref_slice %arg3[%multiple_of3A] : memref<1600000xf32, #tpu.memory_space<hbm>> -> memref<9984xf32, #tpu.memory_space<hbm>>
        %dma_wait3A_183 = arith.constant 0 : i32
        %dma_wait3A_184 = tpu.memref_slice %arg8[%dma_wait3A_183] : memref<9984xf32, #tpu.memory_space<vmem>> -> memref<9984xf32, #tpu.memory_space<vmem>>
        %dma_wait3A_185 = tpu.memref_slice %arg3[%multiple_of3A] : memref<1600000xf32, #tpu.memory_space<hbm>> -> memref<9984xf32, #tpu.memory_space<hbm>>
        tpu.wait_dma2 semaphore(%run_scoped3A : memref<!tpu.dma_semaphore, #tpu.memory_space<semaphore_mem>>) src(%dma_wait3A_185 : memref<9984xf32, #tpu.memory_space<hbm>>) dst(%dma_wait3A_184 : memref<9984xf32, #tpu.memory_space<vmem>>)
        tpu.yield
      }) : () -> ()
      "tpu.region"() ({
        %run_scoped3A = tpu.sem_alloc : memref<!tpu.dma_semaphore, #tpu.memory_space<semaphore_mem>>
        %dma_start3A = arith.constant 0 : i32
        %dma_start3A_176 = tpu.memref_slice %arg9[%dma_start3A] : memref<9984xi32, #tpu.memory_space<vmem>> -> memref<9984xi32, #tpu.memory_space<vmem>>
        %dma_start3A_177 = tpu.memref_slice %arg4[%multiple_of3A] : memref<1600000xi32, #tpu.memory_space<hbm>> -> memref<9984xi32, #tpu.memory_space<hbm>>
        %dma_start3A_178 = arith.constant 0 : i32
        %dma_start3A_179 = tpu.memref_slice %arg9[%dma_start3A_178] : memref<9984xi32, #tpu.memory_space<vmem>> -> memref<9984xi32, #tpu.memory_space<vmem>>
        %dma_start3A_180 = tpu.memref_slice %arg4[%multiple_of3A] : memref<1600000xi32, #tpu.memory_space<hbm>> -> memref<9984xi32, #tpu.memory_space<hbm>>
        tpu.enqueue_dma source(%dma_start3A_180 : memref<9984xi32, #tpu.memory_space<hbm>>) target(%dma_start3A_179 : memref<9984xi32, #tpu.memory_space<vmem>>) target_semaphore(%run_scoped3A : memref<!tpu.dma_semaphore, #tpu.memory_space<semaphore_mem>>)
        %dma_wait3A = arith.constant 0 : i32
        %dma_wait3A_181 = tpu.memref_slice %arg9[%dma_wait3A] : memref<9984xi32, #tpu.memory_space<vmem>> -> memref<9984xi32, #tpu.memory_space<vmem>>
        %dma_wait3A_182 = tpu.memref_slice %arg4[%multiple_of3A] : memref<1600000xi32, #tpu.memory_space<hbm>> -> memref<9984xi32, #tpu.memory_space<hbm>>
        %dma_wait3A_183 = arith.constant 0 : i32
        %dma_wait3A_184 = tpu.memref_slice %arg9[%dma_wait3A_183] : memref<9984xi32, #tpu.memory_space<vmem>> -> memref<9984xi32, #tpu.memory_space<vmem>>
        %dma_wait3A_185 = tpu.memref_slice %arg4[%multiple_of3A] : memref<1600000xi32, #tpu.memory_space<hbm>> -> memref<9984xi32, #tpu.memory_space<hbm>>
        tpu.wait_dma2 semaphore(%run_scoped3A : memref<!tpu.dma_semaphore, #tpu.memory_space<semaphore_mem>>) src(%dma_wait3A_185 : memref<9984xi32, #tpu.memory_space<hbm>>) dst(%dma_wait3A_184 : memref<9984xi32, #tpu.memory_space<vmem>>)
        tpu.yield
      }) : () -> ()
      "tpu.region"() ({
        %run_scoped3A = tpu.sem_alloc : memref<!tpu.dma_semaphore, #tpu.memory_space<semaphore_mem>>
        %dma_start3A = arith.constant 0 : i32
        %dma_start3A_176 = arith.constant 0 : i32
        %dma_start3A_177 = tpu.memref_slice %arg10[%dma_start3A, %dma_start3A_176] : memref<3x9984xf32, #tpu.memory_space<vmem>> -> memref<3x9984xf32, #tpu.memory_space<vmem>>
        %dma_start3A_178 = arith.constant 0 : i32
        %dma_start3A_179 = tpu.memref_slice %arg5[%dma_start3A_178, %multiple_of3A] : memref<3x1600000xf32, #tpu.memory_space<hbm>> -> memref<3x9984xf32, #tpu.memory_space<hbm>>
        %dma_start3A_180 = arith.constant 0 : i32
        %dma_start3A_181 = arith.constant 0 : i32
        %dma_start3A_182 = tpu.memref_slice %arg10[%dma_start3A_180, %dma_start3A_181] : memref<3x9984xf32, #tpu.memory_space<vmem>> -> memref<3x9984xf32, #tpu.memory_space<vmem>>
        %dma_start3A_183 = arith.constant 0 : i32
        %dma_start3A_184 = tpu.memref_slice %arg5[%dma_start3A_183, %multiple_of3A] : memref<3x1600000xf32, #tpu.memory_space<hbm>> -> memref<3x9984xf32, #tpu.memory_space<hbm>>
        tpu.enqueue_dma source(%dma_start3A_184 : memref<3x9984xf32, #tpu.memory_space<hbm>>) target(%dma_start3A_182 : memref<3x9984xf32, #tpu.memory_space<vmem>>) target_semaphore(%run_scoped3A : memref<!tpu.dma_semaphore, #tpu.memory_space<semaphore_mem>>)
        %dma_wait3A = arith.constant 0 : i32
        %dma_wait3A_185 = arith.constant 0 : i32
        %dma_wait3A_186 = tpu.memref_slice %arg10[%dma_wait3A, %dma_wait3A_185] : memref<3x9984xf32, #tpu.memory_space<vmem>> -> memref<3x9984xf32, #tpu.memory_space<vmem>>
        %dma_wait3A_187 = arith.constant 0 : i32
        %dma_wait3A_188 = tpu.memref_slice %arg5[%dma_wait3A_187, %multiple_of3A] : memref<3x1600000xf32, #tpu.memory_space<hbm>> -> memref<3x9984xf32, #tpu.memory_space<hbm>>
        %dma_wait3A_189 = arith.constant 0 : i32
        %dma_wait3A_190 = arith.constant 0 : i32
        %dma_wait3A_191 = tpu.memref_slice %arg10[%dma_wait3A_189, %dma_wait3A_190] : memref<3x9984xf32, #tpu.memory_space<vmem>> -> memref<3x9984xf32, #tpu.memory_space<vmem>>
        %dma_wait3A_192 = arith.constant 0 : i32
        %dma_wait3A_193 = tpu.memref_slice %arg5[%dma_wait3A_192, %multiple_of3A] : memref<3x1600000xf32, #tpu.memory_space<hbm>> -> memref<3x9984xf32, #tpu.memory_space<hbm>>
        tpu.wait_dma2 semaphore(%run_scoped3A : memref<!tpu.dma_semaphore, #tpu.memory_space<semaphore_mem>>) src(%dma_wait3A_193 : memref<3x9984xf32, #tpu.memory_space<hbm>>) dst(%dma_wait3A_191 : memref<3x9984xf32, #tpu.memory_space<vmem>>)
        tpu.yield
      }) : () -> ()
      %scan3A_170 = arith.constant 0 : i32
      %scan3A_171 = arith.constant 0 : i32
      %scan3A_172 = arith.constant 624 : i32
      %scan3A_173 = arith.addi %scan3A_171, %scan3A_172 : i32
      %scan3A_174 = arith.constant 1 : i32
      scf.for %scan3A_176 = %scan3A_171 to %scan3A_173 step %scan3A_174  : i32 {
        %mul3A_177 = arith.constant 16 : i32
        %mul3A_178 = arith.muli %scan3A_176, %mul3A_177 : i32
        %get3A = arith.index_cast %mul3A_178 : i32 to index
        %get3A_179 = tpu.vector_load %arg9[%get3A] {strides = array<i32>} : memref<9984xi32, #tpu.memory_space<vmem>>, vector<16xi32>,
        %get3A_180 = arith.index_cast %mul3A_178 : i32 to index
        %get3A_181 = tpu.vector_load %arg7[%get3A_180] {strides = array<i32>} : memref<9984xf32, #tpu.memory_space<vmem>>, vector<16xf32>,
        %get3A_182 = arith.index_cast %mul3A_178 : i32 to index
        %get3A_183 = tpu.vector_load %arg8[%get3A_182] {strides = array<i32>} : memref<9984xf32, #tpu.memory_space<vmem>>, vector<16xf32>,
        %get3A_184 = arith.constant 0 : i32
        %get3A_185 = arith.index_cast %get3A_184 : i32 to index
        %get3A_186 = arith.index_cast %mul3A_178 : i32 to index
        %get3A_187 = tpu.vector_load %arg10[%get3A_185, %get3A_186] {strides = array<i32>} : memref<3x9984xf32, #tpu.memory_space<vmem>>, vector<16xf32>,
        %get3A_188 = arith.constant 1 : i32
        %get3A_189 = arith.index_cast %get3A_188 : i32 to index
        %get3A_190 = arith.index_cast %mul3A_178 : i32 to index
        %get3A_191 = tpu.vector_load %arg10[%get3A_189, %get3A_190] {strides = array<i32>} : memref<3x9984xf32, #tpu.memory_space<vmem>>, vector<16xf32>,
        %get3A_192 = arith.constant 2 : i32
        %get3A_193 = arith.index_cast %get3A_192 : i32 to index
        %get3A_194 = arith.index_cast %mul3A_178 : i32 to index
        %get3A_195 = tpu.vector_load %arg10[%get3A_193, %get3A_194] {strides = array<i32>} : memref<3x9984xf32, #tpu.memory_space<vmem>>, vector<16xf32>,
        %add3A_196 = vector.broadcast %mul3A_178 : i32 to vector<16xi32>
        %add3A_197 = arith.addi %add3A_196, %min3A_86 : vector<16xi32>
        %gather3A = tpu.vector_load_idx %arg9[%add3A_197] : memref<9984xi32, #tpu.memory_space<vmem>>[vector<16xi32>], vector<16xi32>,
        %ne3A_198 = arith.cmpi ne, %get3A_179, %gather3A : vector<16xi32>
        %and3A_199 = arith.andi %ne3A_198, %lt3A_88 : vector<16xi1>
        %or3A = arith.ori %and3A_199, %eq3A_90 : vector<16xi1>
        %mul3A_200 = arith.mulf %get3A_181, %get3A_183 : vector<16xf32>
        %mul3A_201 = arith.mulf %get3A_187, %get3A_183 : vector<16xf32>
        %mul3A_202 = arith.mulf %get3A_191, %get3A_183 : vector<16xf32>
        %mul3A_203 = arith.mulf %get3A_195, %get3A_183 : vector<16xf32>
        %mul3A_204 = arith.mulf %get3A_187, %get3A_181 : vector<16xf32>
        %mul3A_205 = arith.mulf %get3A_191, %get3A_181 : vector<16xf32>
        %mul3A_206 = arith.mulf %get3A_195, %get3A_181 : vector<16xf32>
        %broadcast_in_dim3A_207 = arith.constant true
        %broadcast_in_dim3A_208 = vector.broadcast %broadcast_in_dim3A_207 : i1 to vector<16xi1>
        %masked_cumsum3A = tpu.scan <sum>, %get3A_181 masked %broadcast_in_dim3A_208 : vector<16xf32>, vector<16xi1> -> vector<16xf32>
        tpu.vector_store_idx %arg11[%get3A_179], %masked_cumsum3A masked %or3A {add = true} : memref<1024xf32, #tpu.memory_space<vmem>>[vector<16xi32>], vector<16xf32>, vector<16xi1>
        %neg3A = arith.constant 0.000000e+00 : f32
        %neg3A_209 = vector.broadcast %neg3A : f32 to vector<16xf32>
        %neg3A_210 = arith.subf %neg3A_209, %masked_cumsum3A : vector<16xf32>
        tpu.vector_store_idx %arg11[%gather3A], %neg3A_210 masked %and3A_199 {add = true} : memref<1024xf32, #tpu.memory_space<vmem>>[vector<16xi32>], vector<16xf32>, vector<16xi1>
        %broadcast_in_dim3A_211 = arith.constant true
        %broadcast_in_dim3A_212 = vector.broadcast %broadcast_in_dim3A_211 : i1 to vector<16xi1>
        %masked_cumsum3A_213 = tpu.scan <sum>, %get3A_183 masked %broadcast_in_dim3A_212 : vector<16xf32>, vector<16xi1> -> vector<16xf32>
        tpu.vector_store_idx %arg12[%get3A_179], %masked_cumsum3A_213 masked %or3A {add = true} : memref<1024xf32, #tpu.memory_space<vmem>>[vector<16xi32>], vector<16xf32>, vector<16xi1>
        %neg3A_214 = arith.constant 0.000000e+00 : f32
        %neg3A_215 = vector.broadcast %neg3A_214 : f32 to vector<16xf32>
        %neg3A_216 = arith.subf %neg3A_215, %masked_cumsum3A_213 : vector<16xf32>
        tpu.vector_store_idx %arg12[%gather3A], %neg3A_216 masked %and3A_199 {add = true} : memref<1024xf32, #tpu.memory_space<vmem>>[vector<16xi32>], vector<16xf32>, vector<16xi1>
        %broadcast_in_dim3A_217 = arith.constant true
        %broadcast_in_dim3A_218 = vector.broadcast %broadcast_in_dim3A_217 : i1 to vector<16xi1>
        %masked_cumsum3A_219 = tpu.scan <sum>, %mul3A_200 masked %broadcast_in_dim3A_218 : vector<16xf32>, vector<16xi1> -> vector<16xf32>
        tpu.vector_store_idx %arg13[%get3A_179], %masked_cumsum3A_219 masked %or3A {add = true} : memref<1024xf32, #tpu.memory_space<vmem>>[vector<16xi32>], vector<16xf32>, vector<16xi1>
        %neg3A_220 = arith.constant 0.000000e+00 : f32
        %neg3A_221 = vector.broadcast %neg3A_220 : f32 to vector<16xf32>
        %neg3A_222 = arith.subf %neg3A_221, %masked_cumsum3A_219 : vector<16xf32>
        tpu.vector_store_idx %arg13[%gather3A], %neg3A_222 masked %and3A_199 {add = true} : memref<1024xf32, #tpu.memory_space<vmem>>[vector<16xi32>], vector<16xf32>, vector<16xi1>
        %broadcast_in_dim3A_223 = arith.constant true
        %broadcast_in_dim3A_224 = vector.broadcast %broadcast_in_dim3A_223 : i1 to vector<16xi1>
        %masked_cumsum3A_225 = tpu.scan <sum>, %mul3A_201 masked %broadcast_in_dim3A_224 : vector<16xf32>, vector<16xi1> -> vector<16xf32>
        tpu.vector_store_idx %arg14[%get3A_179], %masked_cumsum3A_225 masked %or3A {add = true} : memref<1024xf32, #tpu.memory_space<vmem>>[vector<16xi32>], vector<16xf32>, vector<16xi1>
        %neg3A_226 = arith.constant 0.000000e+00 : f32
        %neg3A_227 = vector.broadcast %neg3A_226 : f32 to vector<16xf32>
        %neg3A_228 = arith.subf %neg3A_227, %masked_cumsum3A_225 : vector<16xf32>
        tpu.vector_store_idx %arg14[%gather3A], %neg3A_228 masked %and3A_199 {add = true} : memref<1024xf32, #tpu.memory_space<vmem>>[vector<16xi32>], vector<16xf32>, vector<16xi1>
        %broadcast_in_dim3A_229 = arith.constant true
        %broadcast_in_dim3A_230 = vector.broadcast %broadcast_in_dim3A_229 : i1 to vector<16xi1>
        %masked_cumsum3A_231 = tpu.scan <sum>, %mul3A_202 masked %broadcast_in_dim3A_230 : vector<16xf32>, vector<16xi1> -> vector<16xf32>
        tpu.vector_store_idx %arg15[%get3A_179], %masked_cumsum3A_231 masked %or3A {add = true} : memref<1024xf32, #tpu.memory_space<vmem>>[vector<16xi32>], vector<16xf32>, vector<16xi1>
        %neg3A_232 = arith.constant 0.000000e+00 : f32
        %neg3A_233 = vector.broadcast %neg3A_232 : f32 to vector<16xf32>
        %neg3A_234 = arith.subf %neg3A_233, %masked_cumsum3A_231 : vector<16xf32>
        tpu.vector_store_idx %arg15[%gather3A], %neg3A_234 masked %and3A_199 {add = true} : memref<1024xf32, #tpu.memory_space<vmem>>[vector<16xi32>], vector<16xf32>, vector<16xi1>
        %broadcast_in_dim3A_235 = arith.constant true
        %broadcast_in_dim3A_236 = vector.broadcast %broadcast_in_dim3A_235 : i1 to vector<16xi1>
        %masked_cumsum3A_237 = tpu.scan <sum>, %mul3A_203 masked %broadcast_in_dim3A_236 : vector<16xf32>, vector<16xi1> -> vector<16xf32>
        tpu.vector_store_idx %arg16[%get3A_179], %masked_cumsum3A_237 masked %or3A {add = true} : memref<1024xf32, #tpu.memory_space<vmem>>[vector<16xi32>], vector<16xf32>, vector<16xi1>
        %neg3A_238 = arith.constant 0.000000e+00 : f32
        %neg3A_239 = vector.broadcast %neg3A_238 : f32 to vector<16xf32>
        %neg3A_240 = arith.subf %neg3A_239, %masked_cumsum3A_237 : vector<16xf32>
        tpu.vector_store_idx %arg16[%gather3A], %neg3A_240 masked %and3A_199 {add = true} : memref<1024xf32, #tpu.memory_space<vmem>>[vector<16xi32>], vector<16xf32>, vector<16xi1>
        %broadcast_in_dim3A_241 = arith.constant true
        %broadcast_in_dim3A_242 = vector.broadcast %broadcast_in_dim3A_241 : i1 to vector<16xi1>
        %masked_cumsum3A_243 = tpu.scan <sum>, %mul3A_204 masked %broadcast_in_dim3A_242 : vector<16xf32>, vector<16xi1> -> vector<16xf32>
        tpu.vector_store_idx %arg17[%get3A_179], %masked_cumsum3A_243 masked %or3A {add = true} : memref<1024xf32, #tpu.memory_space<vmem>>[vector<16xi32>], vector<16xf32>, vector<16xi1>
        %neg3A_244 = arith.constant 0.000000e+00 : f32
        %neg3A_245 = vector.broadcast %neg3A_244 : f32 to vector<16xf32>
        %neg3A_246 = arith.subf %neg3A_245, %masked_cumsum3A_243 : vector<16xf32>
        tpu.vector_store_idx %arg17[%gather3A], %neg3A_246 masked %and3A_199 {add = true} : memref<1024xf32, #tpu.memory_space<vmem>>[vector<16xi32>], vector<16xf32>, vector<16xi1>
        %broadcast_in_dim3A_247 = arith.constant true
        %broadcast_in_dim3A_248 = vector.broadcast %broadcast_in_dim3A_247 : i1 to vector<16xi1>
        %masked_cumsum3A_249 = tpu.scan <sum>, %mul3A_205 masked %broadcast_in_dim3A_248 : vector<16xf32>, vector<16xi1> -> vector<16xf32>
        tpu.vector_store_idx %arg18[%get3A_179], %masked_cumsum3A_249 masked %or3A {add = true} : memref<1024xf32, #tpu.memory_space<vmem>>[vector<16xi32>], vector<16xf32>, vector<16xi1>
        %neg3A_250 = arith.constant 0.000000e+00 : f32
        %neg3A_251 = vector.broadcast %neg3A_250 : f32 to vector<16xf32>
        %neg3A_252 = arith.subf %neg3A_251, %masked_cumsum3A_249 : vector<16xf32>
        tpu.vector_store_idx %arg18[%gather3A], %neg3A_252 masked %and3A_199 {add = true} : memref<1024xf32, #tpu.memory_space<vmem>>[vector<16xi32>], vector<16xf32>, vector<16xi1>
        %broadcast_in_dim3A_253 = arith.constant true
        %broadcast_in_dim3A_254 = vector.broadcast %broadcast_in_dim3A_253 : i1 to vector<16xi1>
        %masked_cumsum3A_255 = tpu.scan <sum>, %mul3A_206 masked %broadcast_in_dim3A_254 : vector<16xf32>, vector<16xi1> -> vector<16xf32>
        tpu.vector_store_idx %arg19[%get3A_179], %masked_cumsum3A_255 masked %or3A {add = true} : memref<1024xf32, #tpu.memory_space<vmem>>[vector<16xi32>], vector<16xf32>, vector<16xi1>
        %neg3A_256 = arith.constant 0.000000e+00 : f32
        %neg3A_257 = vector.broadcast %neg3A_256 : f32 to vector<16xf32>
        %neg3A_258 = arith.subf %neg3A_257, %masked_cumsum3A_255 : vector<16xf32>
        tpu.vector_store_idx %arg19[%gather3A], %neg3A_258 masked %and3A_199 {add = true} : memref<1024xf32, #tpu.memory_space<vmem>>[vector<16xi32>], vector<16xf32>, vector<16xi1>
      }
      %scan3A_175 = arith.constant 624 : i32
    }
    %while3A_100 = arith.constant 0 : i32
    %while3A_101 = arith.constant 0 : i32
    %while3A_102 = arith.subi %sub3A_75, %while3A_101 : i32
    %while3A_103 = arith.addi %while3A_101, %while3A_102 : i32
    %while3A_104 = arith.constant 1 : i32
    %while3A_105 = arith.divsi %while3A_102, %while3A_104 : i32
    %while3A_106 = arith.muli %while3A_105, %while3A_104 : i32
    %while3A_107 = arith.addi %while3A_101, %while3A_106 : i32
    %while3A_108 = arith.constant 1 : i32
    scf.for %while3A_164 = %while3A_101 to %while3A_107 step %while3A_108  : i32 {
      %mul3A_165 = arith.constant 78 : i32
      %mul3A_166 = arith.muli %select_n3A_71, %mul3A_165 : i32
      %add3A_167 = arith.addi %select_n3A, %mul3A_166 : i32
      %add3A_168 = arith.addi %add3A_167, %while3A_164 : i32
      %mul3A_169 = arith.constant 128 : i32
      %mul3A_170 = arith.muli %add3A_168, %mul3A_169 : i32
      %multiple_of3A = tpu.assume_multiple %mul3A_170, 128 : i32
      "tpu.region"() ({
        %run_scoped3A = tpu.sem_alloc : memref<!tpu.dma_semaphore, #tpu.memory_space<semaphore_mem>>
        %dma_start3A = arith.constant 0 : i32
        %dma_start3A_177 = tpu.memref_slice %arg7[%dma_start3A] : memref<9984xf32, #tpu.memory_space<vmem>> -> memref<128xf32, #tpu.memory_space<vmem>>
        %dma_start3A_178 = tpu.memref_slice %arg2[%multiple_of3A] : memref<1600000xf32, #tpu.memory_space<hbm>> -> memref<128xf32, #tpu.memory_space<hbm>>
        %dma_start3A_179 = arith.constant 0 : i32
        %dma_start3A_180 = tpu.memref_slice %arg7[%dma_start3A_179] : memref<9984xf32, #tpu.memory_space<vmem>> -> memref<128xf32, #tpu.memory_space<vmem>>
        %dma_start3A_181 = tpu.memref_slice %arg2[%multiple_of3A] : memref<1600000xf32, #tpu.memory_space<hbm>> -> memref<128xf32, #tpu.memory_space<hbm>>
        tpu.enqueue_dma source(%dma_start3A_181 : memref<128xf32, #tpu.memory_space<hbm>>) target(%dma_start3A_180 : memref<128xf32, #tpu.memory_space<vmem>>) target_semaphore(%run_scoped3A : memref<!tpu.dma_semaphore, #tpu.memory_space<semaphore_mem>>)
        %dma_wait3A = arith.constant 0 : i32
        %dma_wait3A_182 = tpu.memref_slice %arg7[%dma_wait3A] : memref<9984xf32, #tpu.memory_space<vmem>> -> memref<128xf32, #tpu.memory_space<vmem>>
        %dma_wait3A_183 = tpu.memref_slice %arg2[%multiple_of3A] : memref<1600000xf32, #tpu.memory_space<hbm>> -> memref<128xf32, #tpu.memory_space<hbm>>
        %dma_wait3A_184 = arith.constant 0 : i32
        %dma_wait3A_185 = tpu.memref_slice %arg7[%dma_wait3A_184] : memref<9984xf32, #tpu.memory_space<vmem>> -> memref<128xf32, #tpu.memory_space<vmem>>
        %dma_wait3A_186 = tpu.memref_slice %arg2[%multiple_of3A] : memref<1600000xf32, #tpu.memory_space<hbm>> -> memref<128xf32, #tpu.memory_space<hbm>>
        tpu.wait_dma2 semaphore(%run_scoped3A : memref<!tpu.dma_semaphore, #tpu.memory_space<semaphore_mem>>) src(%dma_wait3A_186 : memref<128xf32, #tpu.memory_space<hbm>>) dst(%dma_wait3A_185 : memref<128xf32, #tpu.memory_space<vmem>>)
        tpu.yield
      }) : () -> ()
      "tpu.region"() ({
        %run_scoped3A = tpu.sem_alloc : memref<!tpu.dma_semaphore, #tpu.memory_space<semaphore_mem>>
        %dma_start3A = arith.constant 0 : i32
        %dma_start3A_177 = tpu.memref_slice %arg8[%dma_start3A] : memref<9984xf32, #tpu.memory_space<vmem>> -> memref<128xf32, #tpu.memory_space<vmem>>
        %dma_start3A_178 = tpu.memref_slice %arg3[%multiple_of3A] : memref<1600000xf32, #tpu.memory_space<hbm>> -> memref<128xf32, #tpu.memory_space<hbm>>
        %dma_start3A_179 = arith.constant 0 : i32
        %dma_start3A_180 = tpu.memref_slice %arg8[%dma_start3A_179] : memref<9984xf32, #tpu.memory_space<vmem>> -> memref<128xf32, #tpu.memory_space<vmem>>
        %dma_start3A_181 = tpu.memref_slice %arg3[%multiple_of3A] : memref<1600000xf32, #tpu.memory_space<hbm>> -> memref<128xf32, #tpu.memory_space<hbm>>
        tpu.enqueue_dma source(%dma_start3A_181 : memref<128xf32, #tpu.memory_space<hbm>>) target(%dma_start3A_180 : memref<128xf32, #tpu.memory_space<vmem>>) target_semaphore(%run_scoped3A : memref<!tpu.dma_semaphore, #tpu.memory_space<semaphore_mem>>)
        %dma_wait3A = arith.constant 0 : i32
        %dma_wait3A_182 = tpu.memref_slice %arg8[%dma_wait3A] : memref<9984xf32, #tpu.memory_space<vmem>> -> memref<128xf32, #tpu.memory_space<vmem>>
        %dma_wait3A_183 = tpu.memref_slice %arg3[%multiple_of3A] : memref<1600000xf32, #tpu.memory_space<hbm>> -> memref<128xf32, #tpu.memory_space<hbm>>
        %dma_wait3A_184 = arith.constant 0 : i32
        %dma_wait3A_185 = tpu.memref_slice %arg8[%dma_wait3A_184] : memref<9984xf32, #tpu.memory_space<vmem>> -> memref<128xf32, #tpu.memory_space<vmem>>
        %dma_wait3A_186 = tpu.memref_slice %arg3[%multiple_of3A] : memref<1600000xf32, #tpu.memory_space<hbm>> -> memref<128xf32, #tpu.memory_space<hbm>>
        tpu.wait_dma2 semaphore(%run_scoped3A : memref<!tpu.dma_semaphore, #tpu.memory_space<semaphore_mem>>) src(%dma_wait3A_186 : memref<128xf32, #tpu.memory_space<hbm>>) dst(%dma_wait3A_185 : memref<128xf32, #tpu.memory_space<vmem>>)
        tpu.yield
      }) : () -> ()
      "tpu.region"() ({
        %run_scoped3A = tpu.sem_alloc : memref<!tpu.dma_semaphore, #tpu.memory_space<semaphore_mem>>
        %dma_start3A = arith.constant 0 : i32
        %dma_start3A_177 = tpu.memref_slice %arg9[%dma_start3A] : memref<9984xi32, #tpu.memory_space<vmem>> -> memref<128xi32, #tpu.memory_space<vmem>>
        %dma_start3A_178 = tpu.memref_slice %arg4[%multiple_of3A] : memref<1600000xi32, #tpu.memory_space<hbm>> -> memref<128xi32, #tpu.memory_space<hbm>>
        %dma_start3A_179 = arith.constant 0 : i32
        %dma_start3A_180 = tpu.memref_slice %arg9[%dma_start3A_179] : memref<9984xi32, #tpu.memory_space<vmem>> -> memref<128xi32, #tpu.memory_space<vmem>>
        %dma_start3A_181 = tpu.memref_slice %arg4[%multiple_of3A] : memref<1600000xi32, #tpu.memory_space<hbm>> -> memref<128xi32, #tpu.memory_space<hbm>>
        tpu.enqueue_dma source(%dma_start3A_181 : memref<128xi32, #tpu.memory_space<hbm>>) target(%dma_start3A_180 : memref<128xi32, #tpu.memory_space<vmem>>) target_semaphore(%run_scoped3A : memref<!tpu.dma_semaphore, #tpu.memory_space<semaphore_mem>>)
        %dma_wait3A = arith.constant 0 : i32
        %dma_wait3A_182 = tpu.memref_slice %arg9[%dma_wait3A] : memref<9984xi32, #tpu.memory_space<vmem>> -> memref<128xi32, #tpu.memory_space<vmem>>
        %dma_wait3A_183 = tpu.memref_slice %arg4[%multiple_of3A] : memref<1600000xi32, #tpu.memory_space<hbm>> -> memref<128xi32, #tpu.memory_space<hbm>>
        %dma_wait3A_184 = arith.constant 0 : i32
        %dma_wait3A_185 = tpu.memref_slice %arg9[%dma_wait3A_184] : memref<9984xi32, #tpu.memory_space<vmem>> -> memref<128xi32, #tpu.memory_space<vmem>>
        %dma_wait3A_186 = tpu.memref_slice %arg4[%multiple_of3A] : memref<1600000xi32, #tpu.memory_space<hbm>> -> memref<128xi32, #tpu.memory_space<hbm>>
        tpu.wait_dma2 semaphore(%run_scoped3A : memref<!tpu.dma_semaphore, #tpu.memory_space<semaphore_mem>>) src(%dma_wait3A_186 : memref<128xi32, #tpu.memory_space<hbm>>) dst(%dma_wait3A_185 : memref<128xi32, #tpu.memory_space<vmem>>)
        tpu.yield
      }) : () -> ()
      "tpu.region"() ({
        %run_scoped3A = tpu.sem_alloc : memref<!tpu.dma_semaphore, #tpu.memory_space<semaphore_mem>>
        %dma_start3A = arith.constant 0 : i32
        %dma_start3A_177 = arith.constant 0 : i32
        %dma_start3A_178 = tpu.memref_slice %arg10[%dma_start3A, %dma_start3A_177] : memref<3x9984xf32, #tpu.memory_space<vmem>> -> memref<3x128xf32, #tpu.memory_space<vmem>>
        %dma_start3A_179 = arith.constant 0 : i32
        %dma_start3A_180 = tpu.memref_slice %arg5[%dma_start3A_179, %multiple_of3A] : memref<3x1600000xf32, #tpu.memory_space<hbm>> -> memref<3x128xf32, #tpu.memory_space<hbm>>
        %dma_start3A_181 = arith.constant 0 : i32
        %dma_start3A_182 = arith.constant 0 : i32
        %dma_start3A_183 = tpu.memref_slice %arg10[%dma_start3A_181, %dma_start3A_182] : memref<3x9984xf32, #tpu.memory_space<vmem>> -> memref<3x128xf32, #tpu.memory_space<vmem>>
        %dma_start3A_184 = arith.constant 0 : i32
        %dma_start3A_185 = tpu.memref_slice %arg5[%dma_start3A_184, %multiple_of3A] : memref<3x1600000xf32, #tpu.memory_space<hbm>> -> memref<3x128xf32, #tpu.memory_space<hbm>>
        tpu.enqueue_dma source(%dma_start3A_185 : memref<3x128xf32, #tpu.memory_space<hbm>>) target(%dma_start3A_183 : memref<3x128xf32, #tpu.memory_space<vmem>>) target_semaphore(%run_scoped3A : memref<!tpu.dma_semaphore, #tpu.memory_space<semaphore_mem>>)
        %dma_wait3A = arith.constant 0 : i32
        %dma_wait3A_186 = arith.constant 0 : i32
        %dma_wait3A_187 = tpu.memref_slice %arg10[%dma_wait3A, %dma_wait3A_186] : memref<3x9984xf32, #tpu.memory_space<vmem>> -> memref<3x128xf32, #tpu.memory_space<vmem>>
        %dma_wait3A_188 = arith.constant 0 : i32
        %dma_wait3A_189 = tpu.memref_slice %arg5[%dma_wait3A_188, %multiple_of3A] : memref<3x1600000xf32, #tpu.memory_space<hbm>> -> memref<3x128xf32, #tpu.memory_space<hbm>>
        %dma_wait3A_190 = arith.constant 0 : i32
        %dma_wait3A_191 = arith.constant 0 : i32
        %dma_wait3A_192 = tpu.memref_slice %arg10[%dma_wait3A_190, %dma_wait3A_191] : memref<3x9984xf32, #tpu.memory_space<vmem>> -> memref<3x128xf32, #tpu.memory_space<vmem>>
        %dma_wait3A_193 = arith.constant 0 : i32
        %dma_wait3A_194 = tpu.memref_slice %arg5[%dma_wait3A_193, %multiple_of3A] : memref<3x1600000xf32, #tpu.memory_space<hbm>> -> memref<3x128xf32, #tpu.memory_space<hbm>>
        tpu.wait_dma2 semaphore(%run_scoped3A : memref<!tpu.dma_semaphore, #tpu.memory_space<semaphore_mem>>) src(%dma_wait3A_194 : memref<3x128xf32, #tpu.memory_space<hbm>>) dst(%dma_wait3A_192 : memref<3x128xf32, #tpu.memory_space<vmem>>)
        tpu.yield
      }) : () -> ()
      %scan3A_171 = arith.constant 0 : i32
      %scan3A_172 = arith.constant 0 : i32
      %scan3A_173 = arith.constant 8 : i32
      %scan3A_174 = arith.addi %scan3A_172, %scan3A_173 : i32
      %scan3A_175 = arith.constant 1 : i32
      scf.for %scan3A_177 = %scan3A_172 to %scan3A_174 step %scan3A_175  : i32 {
        %mul3A_178 = arith.constant 16 : i32
        %mul3A_179 = arith.muli %scan3A_177, %mul3A_178 : i32
        %get3A = arith.index_cast %mul3A_179 : i32 to index
        %get3A_180 = tpu.vector_load %arg9[%get3A] {strides = array<i32>} : memref<9984xi32, #tpu.memory_space<vmem>>, vector<16xi32>,
        %get3A_181 = arith.index_cast %mul3A_179 : i32 to index
        %get3A_182 = tpu.vector_load %arg7[%get3A_181] {strides = array<i32>} : memref<9984xf32, #tpu.memory_space<vmem>>, vector<16xf32>,
        %get3A_183 = arith.index_cast %mul3A_179 : i32 to index
        %get3A_184 = tpu.vector_load %arg8[%get3A_183] {strides = array<i32>} : memref<9984xf32, #tpu.memory_space<vmem>>, vector<16xf32>,
        %get3A_185 = arith.constant 0 : i32
        %get3A_186 = arith.index_cast %get3A_185 : i32 to index
        %get3A_187 = arith.index_cast %mul3A_179 : i32 to index
        %get3A_188 = tpu.vector_load %arg10[%get3A_186, %get3A_187] {strides = array<i32>} : memref<3x9984xf32, #tpu.memory_space<vmem>>, vector<16xf32>,
        %get3A_189 = arith.constant 1 : i32
        %get3A_190 = arith.index_cast %get3A_189 : i32 to index
        %get3A_191 = arith.index_cast %mul3A_179 : i32 to index
        %get3A_192 = tpu.vector_load %arg10[%get3A_190, %get3A_191] {strides = array<i32>} : memref<3x9984xf32, #tpu.memory_space<vmem>>, vector<16xf32>,
        %get3A_193 = arith.constant 2 : i32
        %get3A_194 = arith.index_cast %get3A_193 : i32 to index
        %get3A_195 = arith.index_cast %mul3A_179 : i32 to index
        %get3A_196 = tpu.vector_load %arg10[%get3A_194, %get3A_195] {strides = array<i32>} : memref<3x9984xf32, #tpu.memory_space<vmem>>, vector<16xf32>,
        %add3A_197 = vector.broadcast %mul3A_179 : i32 to vector<16xi32>
        %add3A_198 = arith.addi %add3A_197, %min3A_86 : vector<16xi32>
        %gather3A = tpu.vector_load_idx %arg9[%add3A_198] : memref<9984xi32, #tpu.memory_space<vmem>>[vector<16xi32>], vector<16xi32>,
        %ne3A_199 = arith.cmpi ne, %get3A_180, %gather3A : vector<16xi32>
        %and3A_200 = arith.andi %ne3A_199, %lt3A_88 : vector<16xi1>
        %or3A = arith.ori %and3A_200, %eq3A_90 : vector<16xi1>
        %mul3A_201 = arith.mulf %get3A_182, %get3A_184 : vector<16xf32>
        %mul3A_202 = arith.mulf %get3A_188, %get3A_184 : vector<16xf32>
        %mul3A_203 = arith.mulf %get3A_192, %get3A_184 : vector<16xf32>
        %mul3A_204 = arith.mulf %get3A_196, %get3A_184 : vector<16xf32>
        %mul3A_205 = arith.mulf %get3A_188, %get3A_182 : vector<16xf32>
        %mul3A_206 = arith.mulf %get3A_192, %get3A_182 : vector<16xf32>
        %mul3A_207 = arith.mulf %get3A_196, %get3A_182 : vector<16xf32>
        %broadcast_in_dim3A_208 = arith.constant true
        %broadcast_in_dim3A_209 = vector.broadcast %broadcast_in_dim3A_208 : i1 to vector<16xi1>
        %masked_cumsum3A = tpu.scan <sum>, %get3A_182 masked %broadcast_in_dim3A_209 : vector<16xf32>, vector<16xi1> -> vector<16xf32>
        tpu.vector_store_idx %arg11[%get3A_180], %masked_cumsum3A masked %or3A {add = true} : memref<1024xf32, #tpu.memory_space<vmem>>[vector<16xi32>], vector<16xf32>, vector<16xi1>
        %neg3A = arith.constant 0.000000e+00 : f32
        %neg3A_210 = vector.broadcast %neg3A : f32 to vector<16xf32>
        %neg3A_211 = arith.subf %neg3A_210, %masked_cumsum3A : vector<16xf32>
        tpu.vector_store_idx %arg11[%gather3A], %neg3A_211 masked %and3A_200 {add = true} : memref<1024xf32, #tpu.memory_space<vmem>>[vector<16xi32>], vector<16xf32>, vector<16xi1>
        %broadcast_in_dim3A_212 = arith.constant true
        %broadcast_in_dim3A_213 = vector.broadcast %broadcast_in_dim3A_212 : i1 to vector<16xi1>
        %masked_cumsum3A_214 = tpu.scan <sum>, %get3A_184 masked %broadcast_in_dim3A_213 : vector<16xf32>, vector<16xi1> -> vector<16xf32>
        tpu.vector_store_idx %arg12[%get3A_180], %masked_cumsum3A_214 masked %or3A {add = true} : memref<1024xf32, #tpu.memory_space<vmem>>[vector<16xi32>], vector<16xf32>, vector<16xi1>
        %neg3A_215 = arith.constant 0.000000e+00 : f32
        %neg3A_216 = vector.broadcast %neg3A_215 : f32 to vector<16xf32>
        %neg3A_217 = arith.subf %neg3A_216, %masked_cumsum3A_214 : vector<16xf32>
        tpu.vector_store_idx %arg12[%gather3A], %neg3A_217 masked %and3A_200 {add = true} : memref<1024xf32, #tpu.memory_space<vmem>>[vector<16xi32>], vector<16xf32>, vector<16xi1>
        %broadcast_in_dim3A_218 = arith.constant true
        %broadcast_in_dim3A_219 = vector.broadcast %broadcast_in_dim3A_218 : i1 to vector<16xi1>
        %masked_cumsum3A_220 = tpu.scan <sum>, %mul3A_201 masked %broadcast_in_dim3A_219 : vector<16xf32>, vector<16xi1> -> vector<16xf32>
        tpu.vector_store_idx %arg13[%get3A_180], %masked_cumsum3A_220 masked %or3A {add = true} : memref<1024xf32, #tpu.memory_space<vmem>>[vector<16xi32>], vector<16xf32>, vector<16xi1>
        %neg3A_221 = arith.constant 0.000000e+00 : f32
        %neg3A_222 = vector.broadcast %neg3A_221 : f32 to vector<16xf32>
        %neg3A_223 = arith.subf %neg3A_222, %masked_cumsum3A_220 : vector<16xf32>
        tpu.vector_store_idx %arg13[%gather3A], %neg3A_223 masked %and3A_200 {add = true} : memref<1024xf32, #tpu.memory_space<vmem>>[vector<16xi32>], vector<16xf32>, vector<16xi1>
        %broadcast_in_dim3A_224 = arith.constant true
        %broadcast_in_dim3A_225 = vector.broadcast %broadcast_in_dim3A_224 : i1 to vector<16xi1>
        %masked_cumsum3A_226 = tpu.scan <sum>, %mul3A_202 masked %broadcast_in_dim3A_225 : vector<16xf32>, vector<16xi1> -> vector<16xf32>
        tpu.vector_store_idx %arg14[%get3A_180], %masked_cumsum3A_226 masked %or3A {add = true} : memref<1024xf32, #tpu.memory_space<vmem>>[vector<16xi32>], vector<16xf32>, vector<16xi1>
        %neg3A_227 = arith.constant 0.000000e+00 : f32
        %neg3A_228 = vector.broadcast %neg3A_227 : f32 to vector<16xf32>
        %neg3A_229 = arith.subf %neg3A_228, %masked_cumsum3A_226 : vector<16xf32>
        tpu.vector_store_idx %arg14[%gather3A], %neg3A_229 masked %and3A_200 {add = true} : memref<1024xf32, #tpu.memory_space<vmem>>[vector<16xi32>], vector<16xf32>, vector<16xi1>
        %broadcast_in_dim3A_230 = arith.constant true
        %broadcast_in_dim3A_231 = vector.broadcast %broadcast_in_dim3A_230 : i1 to vector<16xi1>
        %masked_cumsum3A_232 = tpu.scan <sum>, %mul3A_203 masked %broadcast_in_dim3A_231 : vector<16xf32>, vector<16xi1> -> vector<16xf32>
        tpu.vector_store_idx %arg15[%get3A_180], %masked_cumsum3A_232 masked %or3A {add = true} : memref<1024xf32, #tpu.memory_space<vmem>>[vector<16xi32>], vector<16xf32>, vector<16xi1>
        %neg3A_233 = arith.constant 0.000000e+00 : f32
        %neg3A_234 = vector.broadcast %neg3A_233 : f32 to vector<16xf32>
        %neg3A_235 = arith.subf %neg3A_234, %masked_cumsum3A_232 : vector<16xf32>
        tpu.vector_store_idx %arg15[%gather3A], %neg3A_235 masked %and3A_200 {add = true} : memref<1024xf32, #tpu.memory_space<vmem>>[vector<16xi32>], vector<16xf32>, vector<16xi1>
        %broadcast_in_dim3A_236 = arith.constant true
        %broadcast_in_dim3A_237 = vector.broadcast %broadcast_in_dim3A_236 : i1 to vector<16xi1>
        %masked_cumsum3A_238 = tpu.scan <sum>, %mul3A_204 masked %broadcast_in_dim3A_237 : vector<16xf32>, vector<16xi1> -> vector<16xf32>
        tpu.vector_store_idx %arg16[%get3A_180], %masked_cumsum3A_238 masked %or3A {add = true} : memref<1024xf32, #tpu.memory_space<vmem>>[vector<16xi32>], vector<16xf32>, vector<16xi1>
        %neg3A_239 = arith.constant 0.000000e+00 : f32
        %neg3A_240 = vector.broadcast %neg3A_239 : f32 to vector<16xf32>
        %neg3A_241 = arith.subf %neg3A_240, %masked_cumsum3A_238 : vector<16xf32>
        tpu.vector_store_idx %arg16[%gather3A], %neg3A_241 masked %and3A_200 {add = true} : memref<1024xf32, #tpu.memory_space<vmem>>[vector<16xi32>], vector<16xf32>, vector<16xi1>
        %broadcast_in_dim3A_242 = arith.constant true
        %broadcast_in_dim3A_243 = vector.broadcast %broadcast_in_dim3A_242 : i1 to vector<16xi1>
        %masked_cumsum3A_244 = tpu.scan <sum>, %mul3A_205 masked %broadcast_in_dim3A_243 : vector<16xf32>, vector<16xi1> -> vector<16xf32>
        tpu.vector_store_idx %arg17[%get3A_180], %masked_cumsum3A_244 masked %or3A {add = true} : memref<1024xf32, #tpu.memory_space<vmem>>[vector<16xi32>], vector<16xf32>, vector<16xi1>
        %neg3A_245 = arith.constant 0.000000e+00 : f32
        %neg3A_246 = vector.broadcast %neg3A_245 : f32 to vector<16xf32>
        %neg3A_247 = arith.subf %neg3A_246, %masked_cumsum3A_244 : vector<16xf32>
        tpu.vector_store_idx %arg17[%gather3A], %neg3A_247 masked %and3A_200 {add = true} : memref<1024xf32, #tpu.memory_space<vmem>>[vector<16xi32>], vector<16xf32>, vector<16xi1>
        %broadcast_in_dim3A_248 = arith.constant true
        %broadcast_in_dim3A_249 = vector.broadcast %broadcast_in_dim3A_248 : i1 to vector<16xi1>
        %masked_cumsum3A_250 = tpu.scan <sum>, %mul3A_206 masked %broadcast_in_dim3A_249 : vector<16xf32>, vector<16xi1> -> vector<16xf32>
        tpu.vector_store_idx %arg18[%get3A_180], %masked_cumsum3A_250 masked %or3A {add = true} : memref<1024xf32, #tpu.memory_space<vmem>>[vector<16xi32>], vector<16xf32>, vector<16xi1>
        %neg3A_251 = arith.constant 0.000000e+00 : f32
        %neg3A_252 = vector.broadcast %neg3A_251 : f32 to vector<16xf32>
        %neg3A_253 = arith.subf %neg3A_252, %masked_cumsum3A_250 : vector<16xf32>
        tpu.vector_store_idx %arg18[%gather3A], %neg3A_253 masked %and3A_200 {add = true} : memref<1024xf32, #tpu.memory_space<vmem>>[vector<16xi32>], vector<16xf32>, vector<16xi1>
        %broadcast_in_dim3A_254 = arith.constant true
        %broadcast_in_dim3A_255 = vector.broadcast %broadcast_in_dim3A_254 : i1 to vector<16xi1>
        %masked_cumsum3A_256 = tpu.scan <sum>, %mul3A_207 masked %broadcast_in_dim3A_255 : vector<16xf32>, vector<16xi1> -> vector<16xf32>
        tpu.vector_store_idx %arg19[%get3A_180], %masked_cumsum3A_256 masked %or3A {add = true} : memref<1024xf32, #tpu.memory_space<vmem>>[vector<16xi32>], vector<16xf32>, vector<16xi1>
        %neg3A_257 = arith.constant 0.000000e+00 : f32
        %neg3A_258 = vector.broadcast %neg3A_257 : f32 to vector<16xf32>
        %neg3A_259 = arith.subf %neg3A_258, %masked_cumsum3A_256 : vector<16xf32>
        tpu.vector_store_idx %arg19[%gather3A], %neg3A_259 masked %and3A_200 {add = true} : memref<1024xf32, #tpu.memory_space<vmem>>[vector<16xi32>], vector<16xf32>, vector<16xi1>
      }
      %scan3A_176 = arith.constant 8 : i32
    }
    %while3A_109 = arith.constant 1 : i32
    scf.for %while3A_164 = %while3A_107 to %while3A_103 step %while3A_109  : i32 {
      %mul3A_165 = arith.constant 78 : i32
      %mul3A_166 = arith.muli %select_n3A_71, %mul3A_165 : i32
      %add3A_167 = arith.addi %select_n3A, %mul3A_166 : i32
      %add3A_168 = arith.addi %add3A_167, %while3A_164 : i32
      %mul3A_169 = arith.constant 128 : i32
      %mul3A_170 = arith.muli %add3A_168, %mul3A_169 : i32
      %multiple_of3A = tpu.assume_multiple %mul3A_170, 128 : i32
      "tpu.region"() ({
        %run_scoped3A = tpu.sem_alloc : memref<!tpu.dma_semaphore, #tpu.memory_space<semaphore_mem>>
        %dma_start3A = arith.constant 0 : i32
        %dma_start3A_177 = tpu.memref_slice %arg7[%dma_start3A] : memref<9984xf32, #tpu.memory_space<vmem>> -> memref<128xf32, #tpu.memory_space<vmem>>
        %dma_start3A_178 = tpu.memref_slice %arg2[%multiple_of3A] : memref<1600000xf32, #tpu.memory_space<hbm>> -> memref<128xf32, #tpu.memory_space<hbm>>
        %dma_start3A_179 = arith.constant 0 : i32
        %dma_start3A_180 = tpu.memref_slice %arg7[%dma_start3A_179] : memref<9984xf32, #tpu.memory_space<vmem>> -> memref<128xf32, #tpu.memory_space<vmem>>
        %dma_start3A_181 = tpu.memref_slice %arg2[%multiple_of3A] : memref<1600000xf32, #tpu.memory_space<hbm>> -> memref<128xf32, #tpu.memory_space<hbm>>
        tpu.enqueue_dma source(%dma_start3A_181 : memref<128xf32, #tpu.memory_space<hbm>>) target(%dma_start3A_180 : memref<128xf32, #tpu.memory_space<vmem>>) target_semaphore(%run_scoped3A : memref<!tpu.dma_semaphore, #tpu.memory_space<semaphore_mem>>)
        %dma_wait3A = arith.constant 0 : i32
        %dma_wait3A_182 = tpu.memref_slice %arg7[%dma_wait3A] : memref<9984xf32, #tpu.memory_space<vmem>> -> memref<128xf32, #tpu.memory_space<vmem>>
        %dma_wait3A_183 = tpu.memref_slice %arg2[%multiple_of3A] : memref<1600000xf32, #tpu.memory_space<hbm>> -> memref<128xf32, #tpu.memory_space<hbm>>
        %dma_wait3A_184 = arith.constant 0 : i32
        %dma_wait3A_185 = tpu.memref_slice %arg7[%dma_wait3A_184] : memref<9984xf32, #tpu.memory_space<vmem>> -> memref<128xf32, #tpu.memory_space<vmem>>
        %dma_wait3A_186 = tpu.memref_slice %arg2[%multiple_of3A] : memref<1600000xf32, #tpu.memory_space<hbm>> -> memref<128xf32, #tpu.memory_space<hbm>>
        tpu.wait_dma2 semaphore(%run_scoped3A : memref<!tpu.dma_semaphore, #tpu.memory_space<semaphore_mem>>) src(%dma_wait3A_186 : memref<128xf32, #tpu.memory_space<hbm>>) dst(%dma_wait3A_185 : memref<128xf32, #tpu.memory_space<vmem>>)
        tpu.yield
      }) : () -> ()
      "tpu.region"() ({
        %run_scoped3A = tpu.sem_alloc : memref<!tpu.dma_semaphore, #tpu.memory_space<semaphore_mem>>
        %dma_start3A = arith.constant 0 : i32
        %dma_start3A_177 = tpu.memref_slice %arg8[%dma_start3A] : memref<9984xf32, #tpu.memory_space<vmem>> -> memref<128xf32, #tpu.memory_space<vmem>>
        %dma_start3A_178 = tpu.memref_slice %arg3[%multiple_of3A] : memref<1600000xf32, #tpu.memory_space<hbm>> -> memref<128xf32, #tpu.memory_space<hbm>>
        %dma_start3A_179 = arith.constant 0 : i32
        %dma_start3A_180 = tpu.memref_slice %arg8[%dma_start3A_179] : memref<9984xf32, #tpu.memory_space<vmem>> -> memref<128xf32, #tpu.memory_space<vmem>>
        %dma_start3A_181 = tpu.memref_slice %arg3[%multiple_of3A] : memref<1600000xf32, #tpu.memory_space<hbm>> -> memref<128xf32, #tpu.memory_space<hbm>>
        tpu.enqueue_dma source(%dma_start3A_181 : memref<128xf32, #tpu.memory_space<hbm>>) target(%dma_start3A_180 : memref<128xf32, #tpu.memory_space<vmem>>) target_semaphore(%run_scoped3A : memref<!tpu.dma_semaphore, #tpu.memory_space<semaphore_mem>>)
        %dma_wait3A = arith.constant 0 : i32
        %dma_wait3A_182 = tpu.memref_slice %arg8[%dma_wait3A] : memref<9984xf32, #tpu.memory_space<vmem>> -> memref<128xf32, #tpu.memory_space<vmem>>
        %dma_wait3A_183 = tpu.memref_slice %arg3[%multiple_of3A] : memref<1600000xf32, #tpu.memory_space<hbm>> -> memref<128xf32, #tpu.memory_space<hbm>>
        %dma_wait3A_184 = arith.constant 0 : i32
        %dma_wait3A_185 = tpu.memref_slice %arg8[%dma_wait3A_184] : memref<9984xf32, #tpu.memory_space<vmem>> -> memref<128xf32, #tpu.memory_space<vmem>>
        %dma_wait3A_186 = tpu.memref_slice %arg3[%multiple_of3A] : memref<1600000xf32, #tpu.memory_space<hbm>> -> memref<128xf32, #tpu.memory_space<hbm>>
        tpu.wait_dma2 semaphore(%run_scoped3A : memref<!tpu.dma_semaphore, #tpu.memory_space<semaphore_mem>>) src(%dma_wait3A_186 : memref<128xf32, #tpu.memory_space<hbm>>) dst(%dma_wait3A_185 : memref<128xf32, #tpu.memory_space<vmem>>)
        tpu.yield
      }) : () -> ()
      "tpu.region"() ({
        %run_scoped3A = tpu.sem_alloc : memref<!tpu.dma_semaphore, #tpu.memory_space<semaphore_mem>>
        %dma_start3A = arith.constant 0 : i32
        %dma_start3A_177 = tpu.memref_slice %arg9[%dma_start3A] : memref<9984xi32, #tpu.memory_space<vmem>> -> memref<128xi32, #tpu.memory_space<vmem>>
        %dma_start3A_178 = tpu.memref_slice %arg4[%multiple_of3A] : memref<1600000xi32, #tpu.memory_space<hbm>> -> memref<128xi32, #tpu.memory_space<hbm>>
        %dma_start3A_179 = arith.constant 0 : i32
        %dma_start3A_180 = tpu.memref_slice %arg9[%dma_start3A_179] : memref<9984xi32, #tpu.memory_space<vmem>> -> memref<128xi32, #tpu.memory_space<vmem>>
        %dma_start3A_181 = tpu.memref_slice %arg4[%multiple_of3A] : memref<1600000xi32, #tpu.memory_space<hbm>> -> memref<128xi32, #tpu.memory_space<hbm>>
        tpu.enqueue_dma source(%dma_start3A_181 : memref<128xi32, #tpu.memory_space<hbm>>) target(%dma_start3A_180 : memref<128xi32, #tpu.memory_space<vmem>>) target_semaphore(%run_scoped3A : memref<!tpu.dma_semaphore, #tpu.memory_space<semaphore_mem>>)
        %dma_wait3A = arith.constant 0 : i32
        %dma_wait3A_182 = tpu.memref_slice %arg9[%dma_wait3A] : memref<9984xi32, #tpu.memory_space<vmem>> -> memref<128xi32, #tpu.memory_space<vmem>>
        %dma_wait3A_183 = tpu.memref_slice %arg4[%multiple_of3A] : memref<1600000xi32, #tpu.memory_space<hbm>> -> memref<128xi32, #tpu.memory_space<hbm>>
        %dma_wait3A_184 = arith.constant 0 : i32
        %dma_wait3A_185 = tpu.memref_slice %arg9[%dma_wait3A_184] : memref<9984xi32, #tpu.memory_space<vmem>> -> memref<128xi32, #tpu.memory_space<vmem>>
        %dma_wait3A_186 = tpu.memref_slice %arg4[%multiple_of3A] : memref<1600000xi32, #tpu.memory_space<hbm>> -> memref<128xi32, #tpu.memory_space<hbm>>
        tpu.wait_dma2 semaphore(%run_scoped3A : memref<!tpu.dma_semaphore, #tpu.memory_space<semaphore_mem>>) src(%dma_wait3A_186 : memref<128xi32, #tpu.memory_space<hbm>>) dst(%dma_wait3A_185 : memref<128xi32, #tpu.memory_space<vmem>>)
        tpu.yield
      }) : () -> ()
      "tpu.region"() ({
        %run_scoped3A = tpu.sem_alloc : memref<!tpu.dma_semaphore, #tpu.memory_space<semaphore_mem>>
        %dma_start3A = arith.constant 0 : i32
        %dma_start3A_177 = arith.constant 0 : i32
        %dma_start3A_178 = tpu.memref_slice %arg10[%dma_start3A, %dma_start3A_177] : memref<3x9984xf32, #tpu.memory_space<vmem>> -> memref<3x128xf32, #tpu.memory_space<vmem>>
        %dma_start3A_179 = arith.constant 0 : i32
        %dma_start3A_180 = tpu.memref_slice %arg5[%dma_start3A_179, %multiple_of3A] : memref<3x1600000xf32, #tpu.memory_space<hbm>> -> memref<3x128xf32, #tpu.memory_space<hbm>>
        %dma_start3A_181 = arith.constant 0 : i32
        %dma_start3A_182 = arith.constant 0 : i32
        %dma_start3A_183 = tpu.memref_slice %arg10[%dma_start3A_181, %dma_start3A_182] : memref<3x9984xf32, #tpu.memory_space<vmem>> -> memref<3x128xf32, #tpu.memory_space<vmem>>
        %dma_start3A_184 = arith.constant 0 : i32
        %dma_start3A_185 = tpu.memref_slice %arg5[%dma_start3A_184, %multiple_of3A] : memref<3x1600000xf32, #tpu.memory_space<hbm>> -> memref<3x128xf32, #tpu.memory_space<hbm>>
        tpu.enqueue_dma source(%dma_start3A_185 : memref<3x128xf32, #tpu.memory_space<hbm>>) target(%dma_start3A_183 : memref<3x128xf32, #tpu.memory_space<vmem>>) target_semaphore(%run_scoped3A : memref<!tpu.dma_semaphore, #tpu.memory_space<semaphore_mem>>)
        %dma_wait3A = arith.constant 0 : i32
        %dma_wait3A_186 = arith.constant 0 : i32
        %dma_wait3A_187 = tpu.memref_slice %arg10[%dma_wait3A, %dma_wait3A_186] : memref<3x9984xf32, #tpu.memory_space<vmem>> -> memref<3x128xf32, #tpu.memory_space<vmem>>
        %dma_wait3A_188 = arith.constant 0 : i32
        %dma_wait3A_189 = tpu.memref_slice %arg5[%dma_wait3A_188, %multiple_of3A] : memref<3x1600000xf32, #tpu.memory_space<hbm>> -> memref<3x128xf32, #tpu.memory_space<hbm>>
        %dma_wait3A_190 = arith.constant 0 : i32
        %dma_wait3A_191 = arith.constant 0 : i32
        %dma_wait3A_192 = tpu.memref_slice %arg10[%dma_wait3A_190, %dma_wait3A_191] : memref<3x9984xf32, #tpu.memory_space<vmem>> -> memref<3x128xf32, #tpu.memory_space<vmem>>
        %dma_wait3A_193 = arith.constant 0 : i32
        %dma_wait3A_194 = tpu.memref_slice %arg5[%dma_wait3A_193, %multiple_of3A] : memref<3x1600000xf32, #tpu.memory_space<hbm>> -> memref<3x128xf32, #tpu.memory_space<hbm>>
        tpu.wait_dma2 semaphore(%run_scoped3A : memref<!tpu.dma_semaphore, #tpu.memory_space<semaphore_mem>>) src(%dma_wait3A_194 : memref<3x128xf32, #tpu.memory_space<hbm>>) dst(%dma_wait3A_192 : memref<3x128xf32, #tpu.memory_space<vmem>>)
        tpu.yield
      }) : () -> ()
      %scan3A_171 = arith.constant 0 : i32
      %scan3A_172 = arith.constant 0 : i32
      %scan3A_173 = arith.constant 8 : i32
      %scan3A_174 = arith.addi %scan3A_172, %scan3A_173 : i32
      %scan3A_175 = arith.constant 1 : i32
      scf.for %scan3A_177 = %scan3A_172 to %scan3A_174 step %scan3A_175  : i32 {
        %mul3A_178 = arith.constant 16 : i32
        %mul3A_179 = arith.muli %scan3A_177, %mul3A_178 : i32
        %get3A = arith.index_cast %mul3A_179 : i32 to index
        %get3A_180 = tpu.vector_load %arg9[%get3A] {strides = array<i32>} : memref<9984xi32, #tpu.memory_space<vmem>>, vector<16xi32>,
        %get3A_181 = arith.index_cast %mul3A_179 : i32 to index
        %get3A_182 = tpu.vector_load %arg7[%get3A_181] {strides = array<i32>} : memref<9984xf32, #tpu.memory_space<vmem>>, vector<16xf32>,
        %get3A_183 = arith.index_cast %mul3A_179 : i32 to index
        %get3A_184 = tpu.vector_load %arg8[%get3A_183] {strides = array<i32>} : memref<9984xf32, #tpu.memory_space<vmem>>, vector<16xf32>,
        %get3A_185 = arith.constant 0 : i32
        %get3A_186 = arith.index_cast %get3A_185 : i32 to index
        %get3A_187 = arith.index_cast %mul3A_179 : i32 to index
        %get3A_188 = tpu.vector_load %arg10[%get3A_186, %get3A_187] {strides = array<i32>} : memref<3x9984xf32, #tpu.memory_space<vmem>>, vector<16xf32>,
        %get3A_189 = arith.constant 1 : i32
        %get3A_190 = arith.index_cast %get3A_189 : i32 to index
        %get3A_191 = arith.index_cast %mul3A_179 : i32 to index
        %get3A_192 = tpu.vector_load %arg10[%get3A_190, %get3A_191] {strides = array<i32>} : memref<3x9984xf32, #tpu.memory_space<vmem>>, vector<16xf32>,
        %get3A_193 = arith.constant 2 : i32
        %get3A_194 = arith.index_cast %get3A_193 : i32 to index
        %get3A_195 = arith.index_cast %mul3A_179 : i32 to index
        %get3A_196 = tpu.vector_load %arg10[%get3A_194, %get3A_195] {strides = array<i32>} : memref<3x9984xf32, #tpu.memory_space<vmem>>, vector<16xf32>,
        %add3A_197 = vector.broadcast %mul3A_179 : i32 to vector<16xi32>
        %add3A_198 = arith.addi %add3A_197, %min3A_86 : vector<16xi32>
        %gather3A = tpu.vector_load_idx %arg9[%add3A_198] : memref<9984xi32, #tpu.memory_space<vmem>>[vector<16xi32>], vector<16xi32>,
        %ne3A_199 = arith.cmpi ne, %get3A_180, %gather3A : vector<16xi32>
        %and3A_200 = arith.andi %ne3A_199, %lt3A_88 : vector<16xi1>
        %or3A = arith.ori %and3A_200, %eq3A_90 : vector<16xi1>
        %mul3A_201 = arith.mulf %get3A_182, %get3A_184 : vector<16xf32>
        %mul3A_202 = arith.mulf %get3A_188, %get3A_184 : vector<16xf32>
        %mul3A_203 = arith.mulf %get3A_192, %get3A_184 : vector<16xf32>
        %mul3A_204 = arith.mulf %get3A_196, %get3A_184 : vector<16xf32>
        %mul3A_205 = arith.mulf %get3A_188, %get3A_182 : vector<16xf32>
        %mul3A_206 = arith.mulf %get3A_192, %get3A_182 : vector<16xf32>
        %mul3A_207 = arith.mulf %get3A_196, %get3A_182 : vector<16xf32>
        %broadcast_in_dim3A_208 = arith.constant true
        %broadcast_in_dim3A_209 = vector.broadcast %broadcast_in_dim3A_208 : i1 to vector<16xi1>
        %masked_cumsum3A = tpu.scan <sum>, %get3A_182 masked %broadcast_in_dim3A_209 : vector<16xf32>, vector<16xi1> -> vector<16xf32>
        tpu.vector_store_idx %arg11[%get3A_180], %masked_cumsum3A masked %or3A {add = true} : memref<1024xf32, #tpu.memory_space<vmem>>[vector<16xi32>], vector<16xf32>, vector<16xi1>
        %neg3A = arith.constant 0.000000e+00 : f32
        %neg3A_210 = vector.broadcast %neg3A : f32 to vector<16xf32>
        %neg3A_211 = arith.subf %neg3A_210, %masked_cumsum3A : vector<16xf32>
        tpu.vector_store_idx %arg11[%gather3A], %neg3A_211 masked %and3A_200 {add = true} : memref<1024xf32, #tpu.memory_space<vmem>>[vector<16xi32>], vector<16xf32>, vector<16xi1>
        %broadcast_in_dim3A_212 = arith.constant true
        %broadcast_in_dim3A_213 = vector.broadcast %broadcast_in_dim3A_212 : i1 to vector<16xi1>
        %masked_cumsum3A_214 = tpu.scan <sum>, %get3A_184 masked %broadcast_in_dim3A_213 : vector<16xf32>, vector<16xi1> -> vector<16xf32>
        tpu.vector_store_idx %arg12[%get3A_180], %masked_cumsum3A_214 masked %or3A {add = true} : memref<1024xf32, #tpu.memory_space<vmem>>[vector<16xi32>], vector<16xf32>, vector<16xi1>
        %neg3A_215 = arith.constant 0.000000e+00 : f32
        %neg3A_216 = vector.broadcast %neg3A_215 : f32 to vector<16xf32>
        %neg3A_217 = arith.subf %neg3A_216, %masked_cumsum3A_214 : vector<16xf32>
        tpu.vector_store_idx %arg12[%gather3A], %neg3A_217 masked %and3A_200 {add = true} : memref<1024xf32, #tpu.memory_space<vmem>>[vector<16xi32>], vector<16xf32>, vector<16xi1>
        %broadcast_in_dim3A_218 = arith.constant true
        %broadcast_in_dim3A_219 = vector.broadcast %broadcast_in_dim3A_218 : i1 to vector<16xi1>
        %masked_cumsum3A_220 = tpu.scan <sum>, %mul3A_201 masked %broadcast_in_dim3A_219 : vector<16xf32>, vector<16xi1> -> vector<16xf32>
        tpu.vector_store_idx %arg13[%get3A_180], %masked_cumsum3A_220 masked %or3A {add = true} : memref<1024xf32, #tpu.memory_space<vmem>>[vector<16xi32>], vector<16xf32>, vector<16xi1>
        %neg3A_221 = arith.constant 0.000000e+00 : f32
        %neg3A_222 = vector.broadcast %neg3A_221 : f32 to vector<16xf32>
        %neg3A_223 = arith.subf %neg3A_222, %masked_cumsum3A_220 : vector<16xf32>
        tpu.vector_store_idx %arg13[%gather3A], %neg3A_223 masked %and3A_200 {add = true} : memref<1024xf32, #tpu.memory_space<vmem>>[vector<16xi32>], vector<16xf32>, vector<16xi1>
        %broadcast_in_dim3A_224 = arith.constant true
        %broadcast_in_dim3A_225 = vector.broadcast %broadcast_in_dim3A_224 : i1 to vector<16xi1>
        %masked_cumsum3A_226 = tpu.scan <sum>, %mul3A_202 masked %broadcast_in_dim3A_225 : vector<16xf32>, vector<16xi1> -> vector<16xf32>
        tpu.vector_store_idx %arg14[%get3A_180], %masked_cumsum3A_226 masked %or3A {add = true} : memref<1024xf32, #tpu.memory_space<vmem>>[vector<16xi32>], vector<16xf32>, vector<16xi1>
        %neg3A_227 = arith.constant 0.000000e+00 : f32
        %neg3A_228 = vector.broadcast %neg3A_227 : f32 to vector<16xf32>
        %neg3A_229 = arith.subf %neg3A_228, %masked_cumsum3A_226 : vector<16xf32>
        tpu.vector_store_idx %arg14[%gather3A], %neg3A_229 masked %and3A_200 {add = true} : memref<1024xf32, #tpu.memory_space<vmem>>[vector<16xi32>], vector<16xf32>, vector<16xi1>
        %broadcast_in_dim3A_230 = arith.constant true
        %broadcast_in_dim3A_231 = vector.broadcast %broadcast_in_dim3A_230 : i1 to vector<16xi1>
        %masked_cumsum3A_232 = tpu.scan <sum>, %mul3A_203 masked %broadcast_in_dim3A_231 : vector<16xf32>, vector<16xi1> -> vector<16xf32>
        tpu.vector_store_idx %arg15[%get3A_180], %masked_cumsum3A_232 masked %or3A {add = true} : memref<1024xf32, #tpu.memory_space<vmem>>[vector<16xi32>], vector<16xf32>, vector<16xi1>
        %neg3A_233 = arith.constant 0.000000e+00 : f32
        %neg3A_234 = vector.broadcast %neg3A_233 : f32 to vector<16xf32>
        %neg3A_235 = arith.subf %neg3A_234, %masked_cumsum3A_232 : vector<16xf32>
        tpu.vector_store_idx %arg15[%gather3A], %neg3A_235 masked %and3A_200 {add = true} : memref<1024xf32, #tpu.memory_space<vmem>>[vector<16xi32>], vector<16xf32>, vector<16xi1>
        %broadcast_in_dim3A_236 = arith.constant true
        %broadcast_in_dim3A_237 = vector.broadcast %broadcast_in_dim3A_236 : i1 to vector<16xi1>
        %masked_cumsum3A_238 = tpu.scan <sum>, %mul3A_204 masked %broadcast_in_dim3A_237 : vector<16xf32>, vector<16xi1> -> vector<16xf32>
        tpu.vector_store_idx %arg16[%get3A_180], %masked_cumsum3A_238 masked %or3A {add = true} : memref<1024xf32, #tpu.memory_space<vmem>>[vector<16xi32>], vector<16xf32>, vector<16xi1>
        %neg3A_239 = arith.constant 0.000000e+00 : f32
        %neg3A_240 = vector.broadcast %neg3A_239 : f32 to vector<16xf32>
        %neg3A_241 = arith.subf %neg3A_240, %masked_cumsum3A_238 : vector<16xf32>
        tpu.vector_store_idx %arg16[%gather3A], %neg3A_241 masked %and3A_200 {add = true} : memref<1024xf32, #tpu.memory_space<vmem>>[vector<16xi32>], vector<16xf32>, vector<16xi1>
        %broadcast_in_dim3A_242 = arith.constant true
        %broadcast_in_dim3A_243 = vector.broadcast %broadcast_in_dim3A_242 : i1 to vector<16xi1>
        %masked_cumsum3A_244 = tpu.scan <sum>, %mul3A_205 masked %broadcast_in_dim3A_243 : vector<16xf32>, vector<16xi1> -> vector<16xf32>
        tpu.vector_store_idx %arg17[%get3A_180], %masked_cumsum3A_244 masked %or3A {add = true} : memref<1024xf32, #tpu.memory_space<vmem>>[vector<16xi32>], vector<16xf32>, vector<16xi1>
        %neg3A_245 = arith.constant 0.000000e+00 : f32
        %neg3A_246 = vector.broadcast %neg3A_245 : f32 to vector<16xf32>
        %neg3A_247 = arith.subf %neg3A_246, %masked_cumsum3A_244 : vector<16xf32>
        tpu.vector_store_idx %arg17[%gather3A], %neg3A_247 masked %and3A_200 {add = true} : memref<1024xf32, #tpu.memory_space<vmem>>[vector<16xi32>], vector<16xf32>, vector<16xi1>
        %broadcast_in_dim3A_248 = arith.constant true
        %broadcast_in_dim3A_249 = vector.broadcast %broadcast_in_dim3A_248 : i1 to vector<16xi1>
        %masked_cumsum3A_250 = tpu.scan <sum>, %mul3A_206 masked %broadcast_in_dim3A_249 : vector<16xf32>, vector<16xi1> -> vector<16xf32>
        tpu.vector_store_idx %arg18[%get3A_180], %masked_cumsum3A_250 masked %or3A {add = true} : memref<1024xf32, #tpu.memory_space<vmem>>[vector<16xi32>], vector<16xf32>, vector<16xi1>
        %neg3A_251 = arith.constant 0.000000e+00 : f32
        %neg3A_252 = vector.broadcast %neg3A_251 : f32 to vector<16xf32>
        %neg3A_253 = arith.subf %neg3A_252, %masked_cumsum3A_250 : vector<16xf32>
        tpu.vector_store_idx %arg18[%gather3A], %neg3A_253 masked %and3A_200 {add = true} : memref<1024xf32, #tpu.memory_space<vmem>>[vector<16xi32>], vector<16xf32>, vector<16xi1>
        %broadcast_in_dim3A_254 = arith.constant true
        %broadcast_in_dim3A_255 = vector.broadcast %broadcast_in_dim3A_254 : i1 to vector<16xi1>
        %masked_cumsum3A_256 = tpu.scan <sum>, %mul3A_207 masked %broadcast_in_dim3A_255 : vector<16xf32>, vector<16xi1> -> vector<16xf32>
        tpu.vector_store_idx %arg19[%get3A_180], %masked_cumsum3A_256 masked %or3A {add = true} : memref<1024xf32, #tpu.memory_space<vmem>>[vector<16xi32>], vector<16xf32>, vector<16xi1>
        %neg3A_257 = arith.constant 0.000000e+00 : f32
        %neg3A_258 = vector.broadcast %neg3A_257 : f32 to vector<16xf32>
        %neg3A_259 = arith.subf %neg3A_258, %masked_cumsum3A_256 : vector<16xf32>
        tpu.vector_store_idx %arg19[%gather3A], %neg3A_259 masked %and3A_200 {add = true} : memref<1024xf32, #tpu.memory_space<vmem>>[vector<16xi32>], vector<16xf32>, vector<16xi1>
      }
      %scan3A_176 = arith.constant 8 : i32
    }
    %mul3A_110 = arith.constant 9 : i32
    %mul3A_111 = arith.muli %add3A, %mul3A_110 : i32
    %add3A_112 = arith.constant 0 : i32
    %add3A_113 = arith.addi %mul3A_111, %add3A_112 : i32
    %mul3A_114 = arith.constant 1024 : i32
    %mul3A_115 = arith.muli %add3A_113, %mul3A_114 : i32
    "tpu.region"() ({
      %run_scoped3A = tpu.sem_alloc : memref<!tpu.dma_semaphore, #tpu.memory_space<semaphore_mem>>
      %dma_start3A = tpu.memref_slice %arg6[%mul3A_115] : memref<294912xf32, #tpu.memory_space<hbm>> -> memref<1024xf32, #tpu.memory_space<hbm>>
      %dma_start3A_164 = tpu.memref_slice %arg6[%mul3A_115] : memref<294912xf32, #tpu.memory_space<hbm>> -> memref<1024xf32, #tpu.memory_space<hbm>>
      tpu.enqueue_dma source(%arg11 : memref<1024xf32, #tpu.memory_space<vmem>>) target(%dma_start3A_164 : memref<1024xf32, #tpu.memory_space<hbm>>) target_semaphore(%run_scoped3A : memref<!tpu.dma_semaphore, #tpu.memory_space<semaphore_mem>>)
      %dma_wait3A = tpu.memref_slice %arg6[%mul3A_115] : memref<294912xf32, #tpu.memory_space<hbm>> -> memref<1024xf32, #tpu.memory_space<hbm>>
      %dma_wait3A_165 = tpu.memref_slice %arg6[%mul3A_115] : memref<294912xf32, #tpu.memory_space<hbm>> -> memref<1024xf32, #tpu.memory_space<hbm>>
      tpu.wait_dma2 semaphore(%run_scoped3A : memref<!tpu.dma_semaphore, #tpu.memory_space<semaphore_mem>>) src(%arg11 : memref<1024xf32, #tpu.memory_space<vmem>>) dst(%dma_wait3A_165 : memref<1024xf32, #tpu.memory_space<hbm>>)
      tpu.yield
    }) : () -> ()
    %mul3A_116 = arith.constant 9 : i32
    %mul3A_117 = arith.muli %add3A, %mul3A_116 : i32
    %add3A_118 = arith.constant 1 : i32
    %add3A_119 = arith.addi %mul3A_117, %add3A_118 : i32
    %mul3A_120 = arith.constant 1024 : i32
    %mul3A_121 = arith.muli %add3A_119, %mul3A_120 : i32
    "tpu.region"() ({
      %run_scoped3A = tpu.sem_alloc : memref<!tpu.dma_semaphore, #tpu.memory_space<semaphore_mem>>
      %dma_start3A = tpu.memref_slice %arg6[%mul3A_121] : memref<294912xf32, #tpu.memory_space<hbm>> -> memref<1024xf32, #tpu.memory_space<hbm>>
      %dma_start3A_164 = tpu.memref_slice %arg6[%mul3A_121] : memref<294912xf32, #tpu.memory_space<hbm>> -> memref<1024xf32, #tpu.memory_space<hbm>>
      tpu.enqueue_dma source(%arg12 : memref<1024xf32, #tpu.memory_space<vmem>>) target(%dma_start3A_164 : memref<1024xf32, #tpu.memory_space<hbm>>) target_semaphore(%run_scoped3A : memref<!tpu.dma_semaphore, #tpu.memory_space<semaphore_mem>>)
      %dma_wait3A = tpu.memref_slice %arg6[%mul3A_121] : memref<294912xf32, #tpu.memory_space<hbm>> -> memref<1024xf32, #tpu.memory_space<hbm>>
      %dma_wait3A_165 = tpu.memref_slice %arg6[%mul3A_121] : memref<294912xf32, #tpu.memory_space<hbm>> -> memref<1024xf32, #tpu.memory_space<hbm>>
      tpu.wait_dma2 semaphore(%run_scoped3A : memref<!tpu.dma_semaphore, #tpu.memory_space<semaphore_mem>>) src(%arg12 : memref<1024xf32, #tpu.memory_space<vmem>>) dst(%dma_wait3A_165 : memref<1024xf32, #tpu.memory_space<hbm>>)
      tpu.yield
    }) : () -> ()
    %mul3A_122 = arith.constant 9 : i32
    %mul3A_123 = arith.muli %add3A, %mul3A_122 : i32
    %add3A_124 = arith.constant 2 : i32
    %add3A_125 = arith.addi %mul3A_123, %add3A_124 : i32
    %mul3A_126 = arith.constant 1024 : i32
    %mul3A_127 = arith.muli %add3A_125, %mul3A_126 : i32
    "tpu.region"() ({
      %run_scoped3A = tpu.sem_alloc : memref<!tpu.dma_semaphore, #tpu.memory_space<semaphore_mem>>
      %dma_start3A = tpu.memref_slice %arg6[%mul3A_127] : memref<294912xf32, #tpu.memory_space<hbm>> -> memref<1024xf32, #tpu.memory_space<hbm>>
      %dma_start3A_164 = tpu.memref_slice %arg6[%mul3A_127] : memref<294912xf32, #tpu.memory_space<hbm>> -> memref<1024xf32, #tpu.memory_space<hbm>>
      tpu.enqueue_dma source(%arg13 : memref<1024xf32, #tpu.memory_space<vmem>>) target(%dma_start3A_164 : memref<1024xf32, #tpu.memory_space<hbm>>) target_semaphore(%run_scoped3A : memref<!tpu.dma_semaphore, #tpu.memory_space<semaphore_mem>>)
      %dma_wait3A = tpu.memref_slice %arg6[%mul3A_127] : memref<294912xf32, #tpu.memory_space<hbm>> -> memref<1024xf32, #tpu.memory_space<hbm>>
      %dma_wait3A_165 = tpu.memref_slice %arg6[%mul3A_127] : memref<294912xf32, #tpu.memory_space<hbm>> -> memref<1024xf32, #tpu.memory_space<hbm>>
      tpu.wait_dma2 semaphore(%run_scoped3A : memref<!tpu.dma_semaphore, #tpu.memory_space<semaphore_mem>>) src(%arg13 : memref<1024xf32, #tpu.memory_space<vmem>>) dst(%dma_wait3A_165 : memref<1024xf32, #tpu.memory_space<hbm>>)
      tpu.yield
    }) : () -> ()
    %mul3A_128 = arith.constant 9 : i32
    %mul3A_129 = arith.muli %add3A, %mul3A_128 : i32
    %add3A_130 = arith.constant 3 : i32
    %add3A_131 = arith.addi %mul3A_129, %add3A_130 : i32
    %mul3A_132 = arith.constant 1024 : i32
    %mul3A_133 = arith.muli %add3A_131, %mul3A_132 : i32
    "tpu.region"() ({
      %run_scoped3A = tpu.sem_alloc : memref<!tpu.dma_semaphore, #tpu.memory_space<semaphore_mem>>
      %dma_start3A = tpu.memref_slice %arg6[%mul3A_133] : memref<294912xf32, #tpu.memory_space<hbm>> -> memref<1024xf32, #tpu.memory_space<hbm>>
      %dma_start3A_164 = tpu.memref_slice %arg6[%mul3A_133] : memref<294912xf32, #tpu.memory_space<hbm>> -> memref<1024xf32, #tpu.memory_space<hbm>>
      tpu.enqueue_dma source(%arg14 : memref<1024xf32, #tpu.memory_space<vmem>>) target(%dma_start3A_164 : memref<1024xf32, #tpu.memory_space<hbm>>) target_semaphore(%run_scoped3A : memref<!tpu.dma_semaphore, #tpu.memory_space<semaphore_mem>>)
      %dma_wait3A = tpu.memref_slice %arg6[%mul3A_133] : memref<294912xf32, #tpu.memory_space<hbm>> -> memref<1024xf32, #tpu.memory_space<hbm>>
      %dma_wait3A_165 = tpu.memref_slice %arg6[%mul3A_133] : memref<294912xf32, #tpu.memory_space<hbm>> -> memref<1024xf32, #tpu.memory_space<hbm>>
      tpu.wait_dma2 semaphore(%run_scoped3A : memref<!tpu.dma_semaphore, #tpu.memory_space<semaphore_mem>>) src(%arg14 : memref<1024xf32, #tpu.memory_space<vmem>>) dst(%dma_wait3A_165 : memref<1024xf32, #tpu.memory_space<hbm>>)
      tpu.yield
    }) : () -> ()
    %mul3A_134 = arith.constant 9 : i32
    %mul3A_135 = arith.muli %add3A, %mul3A_134 : i32
    %add3A_136 = arith.constant 4 : i32
    %add3A_137 = arith.addi %mul3A_135, %add3A_136 : i32
    %mul3A_138 = arith.constant 1024 : i32
    %mul3A_139 = arith.muli %add3A_137, %mul3A_138 : i32
    "tpu.region"() ({
      %run_scoped3A = tpu.sem_alloc : memref<!tpu.dma_semaphore, #tpu.memory_space<semaphore_mem>>
      %dma_start3A = tpu.memref_slice %arg6[%mul3A_139] : memref<294912xf32, #tpu.memory_space<hbm>> -> memref<1024xf32, #tpu.memory_space<hbm>>
      %dma_start3A_164 = tpu.memref_slice %arg6[%mul3A_139] : memref<294912xf32, #tpu.memory_space<hbm>> -> memref<1024xf32, #tpu.memory_space<hbm>>
      tpu.enqueue_dma source(%arg15 : memref<1024xf32, #tpu.memory_space<vmem>>) target(%dma_start3A_164 : memref<1024xf32, #tpu.memory_space<hbm>>) target_semaphore(%run_scoped3A : memref<!tpu.dma_semaphore, #tpu.memory_space<semaphore_mem>>)
      %dma_wait3A = tpu.memref_slice %arg6[%mul3A_139] : memref<294912xf32, #tpu.memory_space<hbm>> -> memref<1024xf32, #tpu.memory_space<hbm>>
      %dma_wait3A_165 = tpu.memref_slice %arg6[%mul3A_139] : memref<294912xf32, #tpu.memory_space<hbm>> -> memref<1024xf32, #tpu.memory_space<hbm>>
      tpu.wait_dma2 semaphore(%run_scoped3A : memref<!tpu.dma_semaphore, #tpu.memory_space<semaphore_mem>>) src(%arg15 : memref<1024xf32, #tpu.memory_space<vmem>>) dst(%dma_wait3A_165 : memref<1024xf32, #tpu.memory_space<hbm>>)
      tpu.yield
    }) : () -> ()
    %mul3A_140 = arith.constant 9 : i32
    %mul3A_141 = arith.muli %add3A, %mul3A_140 : i32
    %add3A_142 = arith.constant 5 : i32
    %add3A_143 = arith.addi %mul3A_141, %add3A_142 : i32
    %mul3A_144 = arith.constant 1024 : i32
    %mul3A_145 = arith.muli %add3A_143, %mul3A_144 : i32
    "tpu.region"() ({
      %run_scoped3A = tpu.sem_alloc : memref<!tpu.dma_semaphore, #tpu.memory_space<semaphore_mem>>
      %dma_start3A = tpu.memref_slice %arg6[%mul3A_145] : memref<294912xf32, #tpu.memory_space<hbm>> -> memref<1024xf32, #tpu.memory_space<hbm>>
      %dma_start3A_164 = tpu.memref_slice %arg6[%mul3A_145] : memref<294912xf32, #tpu.memory_space<hbm>> -> memref<1024xf32, #tpu.memory_space<hbm>>
      tpu.enqueue_dma source(%arg16 : memref<1024xf32, #tpu.memory_space<vmem>>) target(%dma_start3A_164 : memref<1024xf32, #tpu.memory_space<hbm>>) target_semaphore(%run_scoped3A : memref<!tpu.dma_semaphore, #tpu.memory_space<semaphore_mem>>)
      %dma_wait3A = tpu.memref_slice %arg6[%mul3A_145] : memref<294912xf32, #tpu.memory_space<hbm>> -> memref<1024xf32, #tpu.memory_space<hbm>>
      %dma_wait3A_165 = tpu.memref_slice %arg6[%mul3A_145] : memref<294912xf32, #tpu.memory_space<hbm>> -> memref<1024xf32, #tpu.memory_space<hbm>>
      tpu.wait_dma2 semaphore(%run_scoped3A : memref<!tpu.dma_semaphore, #tpu.memory_space<semaphore_mem>>) src(%arg16 : memref<1024xf32, #tpu.memory_space<vmem>>) dst(%dma_wait3A_165 : memref<1024xf32, #tpu.memory_space<hbm>>)
      tpu.yield
    }) : () -> ()
    %mul3A_146 = arith.constant 9 : i32
    %mul3A_147 = arith.muli %add3A, %mul3A_146 : i32
    %add3A_148 = arith.constant 6 : i32
    %add3A_149 = arith.addi %mul3A_147, %add3A_148 : i32
    %mul3A_150 = arith.constant 1024 : i32
    %mul3A_151 = arith.muli %add3A_149, %mul3A_150 : i32
    "tpu.region"() ({
      %run_scoped3A = tpu.sem_alloc : memref<!tpu.dma_semaphore, #tpu.memory_space<semaphore_mem>>
      %dma_start3A = tpu.memref_slice %arg6[%mul3A_151] : memref<294912xf32, #tpu.memory_space<hbm>> -> memref<1024xf32, #tpu.memory_space<hbm>>
      %dma_start3A_164 = tpu.memref_slice %arg6[%mul3A_151] : memref<294912xf32, #tpu.memory_space<hbm>> -> memref<1024xf32, #tpu.memory_space<hbm>>
      tpu.enqueue_dma source(%arg17 : memref<1024xf32, #tpu.memory_space<vmem>>) target(%dma_start3A_164 : memref<1024xf32, #tpu.memory_space<hbm>>) target_semaphore(%run_scoped3A : memref<!tpu.dma_semaphore, #tpu.memory_space<semaphore_mem>>)
      %dma_wait3A = tpu.memref_slice %arg6[%mul3A_151] : memref<294912xf32, #tpu.memory_space<hbm>> -> memref<1024xf32, #tpu.memory_space<hbm>>
      %dma_wait3A_165 = tpu.memref_slice %arg6[%mul3A_151] : memref<294912xf32, #tpu.memory_space<hbm>> -> memref<1024xf32, #tpu.memory_space<hbm>>
      tpu.wait_dma2 semaphore(%run_scoped3A : memref<!tpu.dma_semaphore, #tpu.memory_space<semaphore_mem>>) src(%arg17 : memref<1024xf32, #tpu.memory_space<vmem>>) dst(%dma_wait3A_165 : memref<1024xf32, #tpu.memory_space<hbm>>)
      tpu.yield
    }) : () -> ()
    %mul3A_152 = arith.constant 9 : i32
    %mul3A_153 = arith.muli %add3A, %mul3A_152 : i32
    %add3A_154 = arith.constant 7 : i32
    %add3A_155 = arith.addi %mul3A_153, %add3A_154 : i32
    %mul3A_156 = arith.constant 1024 : i32
    %mul3A_157 = arith.muli %add3A_155, %mul3A_156 : i32
    "tpu.region"() ({
      %run_scoped3A = tpu.sem_alloc : memref<!tpu.dma_semaphore, #tpu.memory_space<semaphore_mem>>
      %dma_start3A = tpu.memref_slice %arg6[%mul3A_157] : memref<294912xf32, #tpu.memory_space<hbm>> -> memref<1024xf32, #tpu.memory_space<hbm>>
      %dma_start3A_164 = tpu.memref_slice %arg6[%mul3A_157] : memref<294912xf32, #tpu.memory_space<hbm>> -> memref<1024xf32, #tpu.memory_space<hbm>>
      tpu.enqueue_dma source(%arg18 : memref<1024xf32, #tpu.memory_space<vmem>>) target(%dma_start3A_164 : memref<1024xf32, #tpu.memory_space<hbm>>) target_semaphore(%run_scoped3A : memref<!tpu.dma_semaphore, #tpu.memory_space<semaphore_mem>>)
      %dma_wait3A = tpu.memref_slice %arg6[%mul3A_157] : memref<294912xf32, #tpu.memory_space<hbm>> -> memref<1024xf32, #tpu.memory_space<hbm>>
      %dma_wait3A_165 = tpu.memref_slice %arg6[%mul3A_157] : memref<294912xf32, #tpu.memory_space<hbm>> -> memref<1024xf32, #tpu.memory_space<hbm>>
      tpu.wait_dma2 semaphore(%run_scoped3A : memref<!tpu.dma_semaphore, #tpu.memory_space<semaphore_mem>>) src(%arg18 : memref<1024xf32, #tpu.memory_space<vmem>>) dst(%dma_wait3A_165 : memref<1024xf32, #tpu.memory_space<hbm>>)
      tpu.yield
    }) : () -> ()
    %mul3A_158 = arith.constant 9 : i32
    %mul3A_159 = arith.muli %add3A, %mul3A_158 : i32
    %add3A_160 = arith.constant 8 : i32
    %add3A_161 = arith.addi %mul3A_159, %add3A_160 : i32
    %mul3A_162 = arith.constant 1024 : i32
    %mul3A_163 = arith.muli %add3A_161, %mul3A_162 : i32
    "tpu.region"() ({
      %run_scoped3A = tpu.sem_alloc : memref<!tpu.dma_semaphore, #tpu.memory_space<semaphore_mem>>
      %dma_start3A = tpu.memref_slice %arg6[%mul3A_163] : memref<294912xf32, #tpu.memory_space<hbm>> -> memref<1024xf32, #tpu.memory_space<hbm>>
      %dma_start3A_164 = tpu.memref_slice %arg6[%mul3A_163] : memref<294912xf32, #tpu.memory_space<hbm>> -> memref<1024xf32, #tpu.memory_space<hbm>>
      tpu.enqueue_dma source(%arg19 : memref<1024xf32, #tpu.memory_space<vmem>>) target(%dma_start3A_164 : memref<1024xf32, #tpu.memory_space<hbm>>) target_semaphore(%run_scoped3A : memref<!tpu.dma_semaphore, #tpu.memory_space<semaphore_mem>>)
      %dma_wait3A = tpu.memref_slice %arg6[%mul3A_163] : memref<294912xf32, #tpu.memory_space<hbm>> -> memref<1024xf32, #tpu.memory_space<hbm>>
      %dma_wait3A_165 = tpu.memref_slice %arg6[%mul3A_163] : memref<294912xf32, #tpu.memory_space<hbm>> -> memref<1024xf32, #tpu.memory_space<hbm>>
      tpu.wait_dma2 semaphore(%run_scoped3A : memref<!tpu.dma_semaphore, #tpu.memory_space<semaphore_mem>>) src(%arg19 : memref<1024xf32, #tpu.memory_space<vmem>>) dst(%dma_wait3A_165 : memref<1024xf32, #tpu.memory_space<hbm>>)
      tpu.yield
    }) : () -> ()
    return
  }
}

module attributes {stable_mosaic.version = 14 : i64} {
  func.func @_epilogue_body(%arg0: memref<32x9x1024xf32, #tpu.memory_space<vmem>>, %arg1: memref<8x128xf32, #tpu.memory_space<vmem>>) attributes {dimension_semantics = [], scalar_prefetch = 0 : i64, scratch_operands = 0 : i64, tpu.core_type = #tpu.core_type<tc>} {
    %get3A = arith.constant 0 : index
    %get3A_0 = arith.constant 0 : index
    %get3A_1 = arith.constant 0 : index
    %get3A_2 = vector.load %arg0[%get3A, %get3A_0, %get3A_1] : memref<32x9x1024xf32, #tpu.memory_space<vmem>>, vector<32x9x1024xf32>
    %reduce_sum3A = arith.constant dense<0.000000e+00> : vector<9x1024xf32>
    %reduce_sum3A_3 = vector.multi_reduction <add>, %get3A_2, %reduce_sum3A [0] : vector<32x9x1024xf32> to vector<9x1024xf32>
    %slice3A = vector.extract_strided_slice %reduce_sum3A_3 {offsets = [0, 0], sizes = [1, 1024], strides = [1, 1]} : vector<9x1024xf32> to vector<1x1024xf32>
    %slice3A_4 = vector.extract_strided_slice %reduce_sum3A_3 {offsets = [1, 0], sizes = [1, 1024], strides = [1, 1]} : vector<9x1024xf32> to vector<1x1024xf32>
    %slice3A_5 = vector.extract_strided_slice %reduce_sum3A_3 {offsets = [2, 0], sizes = [1, 1024], strides = [1, 1]} : vector<9x1024xf32> to vector<1x1024xf32>
    %mul3A = arith.constant 2.000000e+00 : f32
    %mul3A_6 = vector.broadcast %mul3A : f32 to vector<1x1024xf32>
    %mul3A_7 = arith.mulf %mul3A_6, %slice3A_5 : vector<1x1024xf32>
    %add3A = arith.constant 1.000000e+00 : f32
    %add3A_8 = vector.broadcast %add3A : f32 to vector<1x1024xf32>
    %add3A_9 = arith.addf %mul3A_7, %add3A_8 : vector<1x1024xf32>
    %add3A_10 = arith.addf %slice3A, %slice3A_4 : vector<1x1024xf32>
    %add3A_11 = arith.constant 1.000000e+00 : f32
    %add3A_12 = vector.broadcast %add3A_11 : f32 to vector<1x1024xf32>
    %add3A_13 = arith.addf %add3A_10, %add3A_12 : vector<1x1024xf32>
    %div3A = arith.divf %add3A_9, %add3A_13 : vector<1x1024xf32>
    %sub3A = arith.constant 1.000000e+00 : f32
    %sub3A_14 = vector.broadcast %sub3A : f32 to vector<1x1024xf32>
    %sub3A_15 = arith.subf %sub3A_14, %div3A : vector<1x1024xf32>
    %reduce_sum3A_16 = vector.shape_cast %sub3A_15 : vector<1x1024xf32> to vector<1x1x1024xf32>
    %reduce_sum3A_17 = arith.constant dense<0.000000e+00> : vector<1xf32>
    %reduce_sum3A_18 = vector.multi_reduction <add>, %reduce_sum3A_16, %reduce_sum3A_17 [1, 2] : vector<1x1x1024xf32> to vector<1xf32>
    %reduce_sum3A_19 = vector.shape_cast %reduce_sum3A_18 : vector<1xf32> to vector<1x1x1xf32>
    %reduce_sum3A_20 = vector.extract %reduce_sum3A_19[0, 0, 0] : f32 from vector<1x1x1xf32>
    %slice3A_21 = vector.extract_strided_slice %reduce_sum3A_3 {offsets = [3, 0], sizes = [3, 1024], strides = [1, 1]} : vector<9x1024xf32> to vector<3x1024xf32>
    %add3A_22 = arith.constant 1.000000e-10 : f32
    %add3A_23 = vector.broadcast %add3A_22 : f32 to vector<1x1024xf32>
    %add3A_24 = arith.addf %slice3A_4, %add3A_23 : vector<1x1024xf32>
    %div3A_25 = vector.broadcast %add3A_24 : vector<1x1024xf32> to vector<3x1024xf32>
    %div3A_26 = arith.divf %slice3A_21, %div3A_25 : vector<3x1024xf32>
    %slice3A_27 = vector.extract_strided_slice %reduce_sum3A_3 {offsets = [6, 0], sizes = [3, 1024], strides = [1, 1]} : vector<9x1024xf32> to vector<3x1024xf32>
    %add3A_28 = arith.constant 1.000000e-10 : f32
    %add3A_29 = vector.broadcast %add3A_28 : f32 to vector<1x1024xf32>
    %add3A_30 = arith.addf %slice3A, %add3A_29 : vector<1x1024xf32>
    %div3A_31 = vector.broadcast %add3A_30 : vector<1x1024xf32> to vector<3x1024xf32>
    %div3A_32 = arith.divf %slice3A_27, %div3A_31 : vector<3x1024xf32>
    %sub3A_33 = arith.subf %div3A_26, %div3A_32 : vector<3x1024xf32>
    %mul3A_34 = arith.mulf %sub3A_33, %sub3A_33 : vector<3x1024xf32>
    %reduce_sum3A_35 = vector.shape_cast %mul3A_34 : vector<3x1024xf32> to vector<1x3x1024xf32>
    %reduce_sum3A_36 = arith.constant dense<0.000000e+00> : vector<1xf32>
    %reduce_sum3A_37 = vector.multi_reduction <add>, %reduce_sum3A_35, %reduce_sum3A_36 [1, 2] : vector<1x3x1024xf32> to vector<1xf32>
    %reduce_sum3A_38 = vector.shape_cast %reduce_sum3A_37 : vector<1xf32> to vector<1x1x1xf32>
    %reduce_sum3A_39 = vector.extract %reduce_sum3A_38[0, 0, 0] : f32 from vector<1x1x1xf32>
    %sqrt3A = math.sqrt %reduce_sum3A_39 : f32
    %add3A_40 = arith.addf %reduce_sum3A_20, %sqrt3A : f32
    %iota3A = tpu.iota {dimensions = array<i32: 0>} : vector<8x128xi32>
    %iota3A_41 = tpu.iota {dimensions = array<i32: 1>} : vector<8x128xi32>
    %eq3A = arith.constant 0 : i32
    %eq3A_42 = vector.broadcast %eq3A : i32 to vector<8x128xi32>
    %eq3A_43 = arith.cmpi eq, %iota3A_41, %eq3A_42 : vector<8x128xi32>
    %eq3A_44 = arith.constant 1 : i32
    %eq3A_45 = vector.broadcast %eq3A_44 : i32 to vector<8x128xi32>
    %eq3A_46 = arith.cmpi eq, %iota3A_41, %eq3A_45 : vector<8x128xi32>
    %eq3A_47 = arith.constant 2 : i32
    %eq3A_48 = vector.broadcast %eq3A_47 : i32 to vector<8x128xi32>
    %eq3A_49 = arith.cmpi eq, %iota3A_41, %eq3A_48 : vector<8x128xi32>
    %jit3A = arith.constant 0.000000e+00 : f32
    %broadcast_in_dim3A = vector.broadcast %sqrt3A : f32 to vector<8x128xf32>
    %broadcast_in_dim3A_50 = vector.broadcast %jit3A : f32 to vector<8x128xf32>
    %select_n3A = arith.select %eq3A_49, %broadcast_in_dim3A, %broadcast_in_dim3A_50 : vector<8x128xi1>, vector<8x128xf32>
    %broadcast_in_dim3A_51 = vector.broadcast %reduce_sum3A_20 : f32 to vector<8x128xf32>
    %select_n3A_52 = arith.select %eq3A_46, %broadcast_in_dim3A_51, %select_n3A : vector<8x128xi1>, vector<8x128xf32>
    %broadcast_in_dim3A_53 = vector.broadcast %add3A_40 : f32 to vector<8x128xf32>
    %select_n3A_54 = arith.select %eq3A_43, %broadcast_in_dim3A_53, %select_n3A_52 : vector<8x128xi1>, vector<8x128xf32>
    %eq3A_55 = arith.constant 0 : i32
    %eq3A_56 = vector.broadcast %eq3A_55 : i32 to vector<8x128xi32>
    %eq3A_57 = arith.cmpi eq, %iota3A, %eq3A_56 : vector<8x128xi32>
    %jit3A_58 = arith.constant 0.000000e+00 : f32
    %broadcast_in_dim3A_59 = vector.broadcast %jit3A_58 : f32 to vector<8x128xf32>
    %select_n3A_60 = arith.select %eq3A_57, %select_n3A_54, %broadcast_in_dim3A_59 : vector<8x128xi1>, vector<8x128xf32>
    %swap3A = arith.constant 0 : index
    %swap3A_61 = arith.constant 0 : index
    %swap3A_62 = vector.load %arg1[%swap3A, %swap3A_61] : memref<8x128xf32, #tpu.memory_space<vmem>>, vector<8x128xf32>
    tpu.vector_store %arg1[%swap3A, %swap3A_61], %select_n3A_60 {strides = array<i32>} : memref<8x128xf32, #tpu.memory_space<vmem>>, vector<8x128xf32>,
    return
  }
}

</mosaic_0001>

<sc_bundles>
// kernel: kernel.4.cloned.1.call-start
scs
__scs_entry_jumppad:
0x0: {  	(pc) =	sbr.rel $0x88, $3  }
0x1: {  	(tag) =	ssettag $0x0;
	lr =	simm.s32 $0x1  }
0x2: {  	[smem:$0x3F9D] =	sst lr;
	_ =	strace $0xD0000000  }
0x3: {  	_ = 	snop  }
0x4: {  	_ = 	snop  }
0x5: {  	_ = 	snop  }
0x6: {  	_ = 	snop  }
0x7: {  	_ = 	snop  }
__scs_overlays_trampoline_lowered:
0x8: {  	[smem:$0x3FAC] =	sst s0  }
0x9: {  	[smem:$0x3FAD] =	sst s1  }
0xa: {  	[smem:$0x3FAE] =	sst s2  }
0xb: {  	[smem:$0x3FAF] =	sst s3  }
0xc: {  	[smem:$0x3FB0] =	sst s4  }
0xd: {  	[smem:$0x3FB1] =	sst s5  }
0xe: {  	[smem:$0x3FB2] =	sst s6  }
0xf: {  	[smem:$0x3FB3] =	sst s7  }
0x10: {  	[smem:$0x3FB4] =	sst s8  }
0x11: {  	[smem:$0x3FB5] =	sst s9;
	s0 =	simm.s32 @!p0 $0x0  }
0x12: {  	s1 =	sld [smem:$0x3F9B];
	s0 =	simm.s32 @p0 $0x1  }
0x13: {  	[smem:$0x3FB6] =	sst s0;
	s0 =	simm.s32 @!p1 $0x0  }
0x14: {  	s2 =	sld [smem:$0x3F9A];
	s0 =	simm.s32 @p1 $0x1  }
0x15: {  	[smem:$0x3FB7] =	sst s0;
	s0 =	simm.s32 @!p2 $0x0  }
0x16: {  	s3 =	sld [smem:$0x3FDB];
	s0 =	simm.s32 @p2 $0x1  }
0x17: {  	s4 =	simm.s32 $0x1BF5;
	[smem:$0x3FB9] =	sst s0  }
0x18: {  	s0 =	sld [smem:$0x3F9C];
	_ =	swait.ge [sflag:s4], $0x0  }
0x19: {  	s7 =	sld [smem:$0x3F9D]  }
0x1a: {  	s8 =	sadd.s32 $0xFFFFE003, lr  }
0x1b: {  	s9 =	sadd.s32 $0xFFFFFEF7, lr;
	s5 =	simm.s32 $0xFFFFFFFF;
	p2 =	slt.u32 s8, $0xFFFFF086  }
0x1c: {  	p1 =	slt.u32 s9, $0xF7A;
	s5 =	simm.s32 @!p2 $0x0  }
0x1d: {  	s5 =	simm.s32 @p1 $0x1;
	p0 =	seq.s32 s7, s2  }
0x1e: {  	s7 =	smul.u32 @!p0 $0xF7A, s2;
	p2 =	seq.s32 @!p0 s5, $0x0  }
0x1f: {  	s9 =	smul.u32 $0xF7A, s1;
	s8 =	simm.s32 @!p0 $0x1BF5;
	p2 =	por !p2, p0  }
0x20: {  	[sflag:s8] =	ssyncset.s32 @!p0 $0xFFFFF086;
	s6 =	sadd.s32 @!p0 s3, s7;
	s7 =	simm.s32 @!p0 $0x108  }
0x21: {  	s3 =	sadd.s32 s3, s9;
	s6 =	sadd.s32 @!p0 $0x88, s6;
	s7 =	simm.s32 @p2 $0x1082  }
0x22: {  	[simem:s7], [sflag:s8] =	dma.local @!p0 [hbm:s6], $0xF7A  }
0x23: {  	s9 =	sor.u32 $0xD0000000, s2;
	s6 =	simm.s32 $0x108;
	_ =	swait.ge @!p0 [sflag:s8], $0x0  }
0x24: {  	s3 =	sadd.s32 $0x88, s3;
	s6 =	simm.s32 @!p1 $0x1082;
	[sflag:s4] =	ssyncset.s32 $0xFFFFF086  }
0x25: {  	[simem:s6], [sflag:s4] =	dma.local [hbm:s3], $0xF7A  }
0x26: {  	[smem:$0x3F9D] =	sst s1;
	(tag) =	ssettag s2;
	_ =	strace s9  }
0x27: {  	s1 =	sld [smem:$0x3FAD]  }
0x28: {  	s2 =	sld [smem:$0x3FAE]  }
0x29: {  	s4 =	sld [smem:$0x3FB0]  }
0x2a: {  	p0 =	seq.s32 s5, $0x0;
	s5 =	sld [smem:$0x3FB1]  }
0x2b: {  	s6 =	sld [smem:$0x3FB2]  }
0x2c: {  	s7 =	sld [smem:$0x3FB3]  }
0x2d: {  	s3 =	simm.s32 $0x108;
	s8 =	sld [smem:$0x3FB4]  }
0x2e: {  	s3 =	simm.s32 @!p0 $0x1082;
	s9 =	sld [smem:$0x3FB5]  }
0x2f: {  	lr =	sadd.s32 s0, s3;
	s0 =	sld [smem:$0x3FAC]  }
0x30: {  	s3 =	sld [smem:$0x3FAF]  }
0x31: {  	[smem:$0x3FB8] =	sst s10  }
0x32: {  	s10 =	sld [smem:$0x3FB6];
	_ =	sdelay $0x3  }
0x33: {  	p0 =	seq.s32 s10, $0x1;
	s10 =	sld [smem:$0x3FB8];
	_ =	sdelay $0x3  }
0x34: {  	[smem:$0x3FB8] =	sst s10  }
0x35: {  	s10 =	sld [smem:$0x3FB7];
	_ =	sdelay $0x3  }
0x36: {  	p1 =	seq.s32 s10, $0x1;
	s10 =	sld [smem:$0x3FB8];
	_ =	sdelay $0x3  }
0x37: {  	[smem:$0x3FB8] =	sst s10  }
0x38: {  	s10 =	sld [smem:$0x3FB9]  }
0x39: {  	_ = 	snop;
	(pc) =	sbr.ind lr, $3  }
0x3a: {  	_ = 	snop  }
0x3b: {  	_ = 	snop  }
0x3c: {  	p2 =	seq.s32 s10, $0x1;
	s10 =	sld [smem:$0x3FB8]  }
0x3d: {  	_ =	shalt  }
0x3e: {  	_ =	shalt  }
0x3f: {  	_ =	shalt  }
0x40: {  	_ =	shalt  }
0x41: {  	_ =	shalt  }
0x42: {  	_ =	shalt  }
0x43: {  	_ =	shalt  }
0x44: {  	_ =	shalt  }
0x45: {  	_ =	shalt  }
0x46: {  	_ =	shalt  }
0x47: {  	_ =	shalt  }
0x48: {  	_ =	shalt  }
0x49: {  	_ =	shalt  }
0x4a: {  	_ =	shalt  }
0x4b: {  	_ =	shalt  }
0x4c: {  	_ =	shalt  }
0x4d: {  	_ =	shalt  }
0x4e: {  	_ =	shalt  }
0x4f: {  	_ =	shalt  }
0x50: {  	_ =	shalt  }
0x51: {  	_ =	shalt  }
0x52: {  	_ =	shalt  }
0x53: {  	_ =	shalt  }
0x54: {  	_ =	shalt  }
0x55: {  	_ =	shalt  }
0x56: {  	_ =	shalt  }
0x57: {  	_ =	shalt  }
0x58: {  	_ =	shalt  }
0x59: {  	_ =	shalt  }
0x5a: {  	_ =	shalt  }
0x5b: {  	_ =	shalt  }
0x5c: {  	_ =	shalt  }
0x5d: {  	_ =	shalt  }
0x5e: {  	_ =	shalt  }
0x5f: {  	_ =	shalt  }
0x60: {  	_ =	shalt  }
0x61: {  	_ =	shalt  }
0x62: {  	_ =	shalt  }
0x63: {  	_ =	shalt  }
0x64: {  	_ =	shalt  }
0x65: {  	_ =	shalt  }
0x66: {  	_ =	shalt  }
0x67: {  	_ =	shalt  }
0x68: {  	_ =	shalt  }
0x69: {  	_ =	shalt  }
0x6a: {  	_ =	shalt  }
0x6b: {  	_ =	shalt  }
0x6c: {  	_ =	shalt  }
0x6d: {  	_ =	shalt  }
0x6e: {  	_ =	shalt  }
0x6f: {  	_ =	shalt  }
0x70: {  	_ =	shalt  }
0x71: {  	_ =	shalt  }
0x72: {  	_ =	shalt  }
0x73: {  	_ =	shalt  }
0x74: {  	_ =	shalt  }
0x75: {  	_ =	shalt  }
0x76: {  	_ =	shalt  }
0x77: {  	_ =	shalt  }
0x78: {  	_ =	shalt  }
0x79: {  	_ =	shalt  }
0x7a: {  	_ =	shalt  }
0x7b: {  	_ =	shalt  }
0x7c: {  	_ =	shalt  }
0x7d: {  	_ =	shalt  }
0x7e: {  	_ =	shalt  }
0x7f: {  	_ =	shalt  }
0x80: {  	_ =	shalt  }
0x81: {  	_ =	shalt  }
0x82: {  	_ =	shalt  }
0x83: {  	_ =	shalt  }
0x84: {  	_ =	shalt  }
0x85: {  	_ =	shalt  }
0x86: {  	_ =	shalt  }
0x87: {  	_ =	shalt  }
.Lfunc_end0:
.L_simem_size_0:
called_computation_lowered:
.L_overlay_start_0:
0x88: {  	s2 =	sld [smem:$0x3FD9]  }
0x89: {  	s3 =	sld [smem:$0x3FFE];
	_ =	sdelay $0x1  }
0x8a: {  	s1 =	srdreg.scid  }
0x8b: {  	s0 =	sand.u32 $0x1, s1  }
0x8c: {  	s17 =	sshll.u32 s0, $0xA;
	s2 =	sadd.s32 s3, s2  }
0x8d: {  	s2 =	sadd.s32 s2, s17  }
0x8e: {  	[smem:$0x3FC4] =	sst s2  }
0x8f: {  	_ = 	snop  }
0x90: {  	s2 =	sld [smem:$0x3FC9]  }
0x91: {  	s18 =	sld [smem:$0x3FC8]  }
0x92: {  	s4 =	sld [smem:$0x3FC7]  }
0x93: {  	s5 =	sld [smem:$0x3FC6];
	(tm) =	ssettm $0x1  }
0x94: {  	s6 =	sld [smem:$0x3FFB];
	_ =	sdelay $0x3  }
0x95: {  	_ =	strace s6  }
0x96: {  	s6 =	sld [smem:$0x3FFC];
	_ =	sdelay $0x3  }
0x97: {  	_ =	strace s6  }
0x98: {  	s6 =	sld [smem:$0x3FFD];
	_ =	sdelay $0x3  }
0x99: {  	_ =	strace s6  }
0x9a: {  	_ =	strace $0x8FFFFFFF  }
0x9b: {  	s19 =	sld [smem:$0x3FDB];
	_ =	sdelay $0x1  }
0x9c: {  	s7 =	simm.s32 $_scs_section_size  }
0x9d: {  	s8 =	simm.s32 $_size__tile_overlayer_lowered;
	s9 =	simm.s32 $_tile_overlayer_lowered  }
0x9e: {  	s22 =	simm.s32 $0x1BFF;
	s21 =	sshll.u32 s9, $0x1;
	s6 =	sadd.s32 s7, s19  }
0x9f: {  	s10 =	simm.s32 $0x0;
	s20 =	sshll.u32 s8, $0x1;
	s8 =	sadd.s32 s21, s6  }
0xa0: {  	[timem:s10], [sflag:s22] =	dma.local [hbm:s8], s20  }
0xa1: {  	_ =	swait.ge [sflag:s22], s20  }
0xa2: {  	s7 =	ssub.s32 $0x0, s20;
	[sflag:s22] =	ssyncset.done $0x0  }
0xa3: {  	[sflag:s22] =	ssyncadd.s32 s7;
	_ =	sdelay $0x1  }
0xa4: {  	s23 =	simm.s32 $0x1B8B  }
0xa5: {  	_ =	swait.ge [sflag:s23], $0x1  }
0xa6: {  	[sflag:s23] =	ssyncset.done $0x0  }
0xa7: {  	s25 =	simm.s32 $0x1B8E;
	s24 =	sld [smem:$0x3FFE];
	[sflag:s23] =	ssyncadd.s32 $0xFFFFFFFF  }
0xa8: {  	s26 =	simm.s32 $execute0_lowered;
	[smem:$0x3FD2] =	sst s25  }
0xa9: {  	s8 =	sshll.u32 s26, $0x1;
	_ =	strace $0x80000046;
	[dreg:$0x1] =	wrdreg $0xFFFFFFFF  }
0xaa: {  	s28 =	simm.s32 $_size_execute0_lowered;
	s6 =	sadd.s32 s6, s8;
	[dreg:$0x0] =	wrdreg $0x0  }
0xab: {  	s8 =	sshll.u32 s28, $0x1;
	[dreg:$0x2] =	wrdreg s6  }
0xac: {  	[dreg:$0x3] =	wrdreg s8  }
0xad: {  	[dreg:$0x4] =	wrdreg $0xC0  }
0xae: {  	_ =	task [dreg:s10], $0x5FFFF  }
0xaf: {  	[dreg:$0x1] =	wrdreg $0xFFFFFFFF  }
0xb0: {  	[dreg:$0x0] =	wrdreg $0x60  }
0xb1: {  	[dreg:$0x2] =	wrdreg s2  }
0xb2: {  	[dreg:$0x3] =	wrdreg s18  }
0xb3: {  	[dreg:$0x4] =	wrdreg s4  }
0xb4: {  	[dreg:$0x5] =	wrdreg s5  }
0xb5: {  	[dreg:$0x6] =	wrdreg s24  }
0xb6: {  	[dreg:$0x7] =	wrdreg $0x9  }
0xb7: {  	_ =	task.clear_ibuf [dreg:s10], $0x8FFFF;
	_ =	strace $0x90000046  }
0xb8: {  	s29 =	simm.s32 $0x9;
	_ =	strace $0x80000048  }
0xb9: {  	_ =	swait.ge [sflag:s29], $0x1  }
0xba: {  	[sflag:s29] =	ssyncadd.s32 $0xFFFFFFFF  }
0xbb: {  	_ =	strace $0x90000048  }
0xbc: {  	_ =	sfence  }
0xbd: {  	s30 =	sld [smem:$0x0];
	_ =	sdelay $0x2  }
0xbe: {  	s31 =	sshll.u32 s1, $0xD;
	s1 =	sshrl.u32 s1, $0x2  }
0xbf: {  	s3 =	sand.u32 $0x4000, s31;
	s1 =	sadd.s32 s1, s30  }
0xc0: {  	s0 =	sor.u32 s3, s0;
	s1 =	sshll.u32 s1, $0x11  }
0xc1: {  	s0 =	sor.u32 s1, s0  }
0xc2: {  	s0 =	sadd.s32 $0x8F2B, s0  }
0xc3: {  	[sflag:s0] =	ssyncadd.remote.s32 $0x1  }
0xc4: {  	_ =	sfence.sel $0xFFFF  }
0xc5: {  	[dreg:$0x0] =	wrdreg $0xFFFFFFFF;
	(pc) =	sbr.abs _section_cstart, $3  }
0xc6: {  	[dreg:$0x1] =	wrdreg $0xFFFFFFFF  }
0xc7: {  	_ =	task.clear_ibuf [dreg:s10], $0x2FFFF;
	_ =	strace $0x9FFFFFFF  }
0xc8: {  	(tm) =	ssettm $0x7FFFFFFF  }
0xc9: {  	_ =	shalt  }
tec
execute0_lowered:
.L_overlay_start_1:
0x0: {  	(tag) =	ssettag $0x1  }
0x1: {  	s0 =	srdreg.scid;
	s1 =	stileid.u32  }
0x2: {  	s0 =	sand.u32 $0x1, s0;
	s1 =	sshll.u32 s1, $0x1  }
0x3: {  	s6 =	sor.u32 s0, s1  }
0x4: {  	s3 =	rddreg [dreg:$0x1];
	s1 =	smul.u32 $0x30D4, s6  }
0x5: {  	s8 =	simm.s32 $0x1;
	s11 =	rddreg [dreg:$0x4]  }
0x6: {  	s28 =	simm.s32 $0x11900;
	s29 =	simm.s32 $0x11D00;
	s2 =	sadd.s32 $0x30D4, s1  }
0x7: {  	s13 =	smul.u32 $0x2400, s6;
	s1 =	sshrl.u32 s1, $0x5;
	s4 =	sshrl.u32 s2, $0x5  }
0x8: {  	s30 =	simm.s32 $0x12100;
	s6 =	smul.u32 $0x480, s6;
	s10 =	ssub.s32 s4, s1  }
0x9: {  	s31 =	simm.s32 $0x12500;
	s13 =	sshrl.u32 s13, $0x3;
	s5 =	smul.u32 $0x6F97, s10  }
0xa: {  	s2 =	rddreg [dreg:$0x0];
	p0 =	sne.s32 s4, s1;
	s7 =	sshll.u32 s10, $0x10  }
0xb: {  	s9 =	sshra.s32 s10, $0x1F;
	s7 =	sshra.s32 s7, $0x10;
	s5 =	sadd.s32 $0x348, s5  }
0xc: {  	s8 =	simm.s32 @!p0 $0x0;
	s7 =	smul.u32 $0x6907, s7;
	s14 =	sand.u32 $0xFFFE, s5  }
0xd: {  	s15 =	sor.u32 s8, s9;
	s5 =	sshll.u32 s5, $0xF;
	s4 =	sshrl.u32 s14, $0x1  }
0xe: {  	s17 =	sshrl.u32 s7, $0x1F;
	s7 =	sshra.s32 s7, $0x15;
	s14 =	sadd.s32 $0x600, s11  }
0xf: {  	s4 =	sor.u32 s5, s4;
	s5 =	rddreg [dreg:$0x3];
	s8 =	sadd.s32 s17, s7  }
0x10: {  	s7 =	simm.s32 $0x0;
	s16 =	sand.u32 $0xFFFF, s4;
	s4 =	rddreg [dreg:$0x2]  }
0x11: {  	s6 =	sadd.s32 s14, s6;
	s19 =	sadd.s32 s14, s13;
	[smem:$0x7FF] =	sst s7  }
0x12: {  	s20 =	sadd.s32 $0x80, s19;
	_ =	strace $0x80000047;
	[dreg:$0x6] =	wrdreg s6  }
0x13: {  	s0 =	ssub.s32 $0x2, s0;
	s21 =	sadd.s32 $0x100, s19;
	[dreg:$0x7] =	wrdreg s20  }
0x14: {  	s18 =	sshrl.u32 s0, $0x1;
	s22 =	sadd.s32 $0x180, s19;
	[dreg:$0x8] =	wrdreg s21  }
0x15: {  	s0 =	ssub.s32 s0, s18;
	s23 =	sadd.s32 $0x200, s19;
	[dreg:$0x9] =	wrdreg s22  }
0x16: {  	s9 =	simm.s32 $0x1;
	s24 =	sadd.s32 $0x280, s19;
	[dreg:$0xa] =	wrdreg s23  }
0x17: {  	p6 =	sne.s32 s15, $0x1;
	s25 =	sadd.s32 $0x300, s19;
	[dreg:$0xb] =	wrdreg s24  }
0x18: {  	s26 =	sadd.s32 $0x380, s19;
	p1 =	sgt.u32 s16, $0x348;
	[dreg:$0xc] =	wrdreg s25  }
0x19: {  	v0 =	vimm.s32 $0xFFEDCBA9;
	v1 =	vimm.s32 $0x87654321;
	s13 =	simm.s32 $0x0;
	[dreg:$0xd] =	wrdreg s26;
	p0 =	por !p1, !p6  }
0x1a: {  	v0 =	vunpack.c.l.s4.s8 v0;
	v1 =	vunpack.c.l.s4.s8 v1;
	s6 =	sadd.s32 $0x400, s19;
	s21 =	smax.u32 s0, $0x1;
	p0 =	por !p0, !p0  }
0x1b: {  	s22 =	simm.s32 $0x2700;
	s23 =	simm.s32 $0x4E00;
	s9 =	simm.s32 @!p0 $0x0  }
.Ltmp0:
0x1c: {  	v0 =	vunpack.c.0.s8.s32 v0;
	v1 =	vunpack.c.0.s8.s32 v1;
	s24 =	simm.s32 $0x7500;
	s8 =	ssub.s32 s8, s9;
	(pc) =	sbr.rel .LBB2_1-.Ltmp0, $4  }
0x1d: {  	s25 =	simm.s32 $0x11100;
	s26 =	simm.s32 $0x11500;
	s12 =	smul.u32 $0x4E, s8  }
0x1e: {  	v1 =	vcombine.low v1, v0;
	s0 =	simm.s32 $0x12D00;
	[dreg:$0xe] =	wrdreg s6;
	s6 =	simm.s32 $0x12900  }
0x1f: {  	vm0 =	vmmov $0x7fff;
	s9 =	simm.s32 $0x1;
	p0 =	slt.s32 s8, $0x1;
	s10 =	ssub.s32 s10, s12  }
0x20: {  	vm1 =	vcmask $0x3F3C;
	v0 =	vimm.f32 $0.0e+00;
	v1 =	vand.u32 $0xF, v1;
	s11 =	sadd.s32 s1, s12;
	s12 =	simm.s32 $0x13100;
	p1 =	slt.s32 s10, $0x1  }
.LBB2_13:
0x21: {  	s14 =	rddreg [dreg:$0x6]  }
0x22: {  	[hbm4b:s14+s7] =	stream.linear.scatter [tilespmem:s25], [sflag:$0x1], $0x400, $0x38;
	[tilespmem:$0x13500] =	vst v63  }
0x23: {  	_ =	swait.ge [sflag:s9], $0x400  }
0x24: {  	[sflag:s9] =	ssyncset.done $0x0  }
0x25: {  	s19 =	rddreg [dreg:$0x7];
	[sflag:s9] =	ssyncadd.s32 $0xFFFFFC00  }
0x26: {  	[hbm4b:s19+s7] =	stream.linear.scatter [tilespmem:s26], [sflag:$0x1], $0x400, $0x38;
	[tilespmem:$0x13500] =	vst v63  }
0x27: {  	_ =	swait.ge [sflag:s9], $0x400  }
0x28: {  	[sflag:s9] =	ssyncset.done $0x0  }
0x29: {  	s20 =	rddreg [dreg:$0x8];
	[sflag:s9] =	ssyncadd.s32 $0xFFFFFC00  }
0x2a: {  	[hbm4b:s20+s7] =	stream.linear.scatter [tilespmem:s28], [sflag:$0x1], $0x400, $0x38;
	[tilespmem:$0x13500] =	vst v63  }
0x2b: {  	_ =	swait.ge [sflag:s9], $0x400  }
0x2c: {  	[sflag:s9] =	ssyncset.done $0x0  }
0x2d: {  	s15 =	rddreg [dreg:$0x9];
	[sflag:s9] =	ssyncadd.s32 $0xFFFFFC00  }
0x2e: {  	[hbm4b:s15+s7] =	stream.linear.scatter [tilespmem:s29], [sflag:$0x1], $0x400, $0x38;
	[tilespmem:$0x13500] =	vst v63  }
0x2f: {  	_ =	swait.ge [sflag:s9], $0x400  }
0x30: {  	[sflag:s9] =	ssyncset.done $0x0  }
0x31: {  	s16 =	rddreg [dreg:$0xa];
	[sflag:s9] =	ssyncadd.s32 $0xFFFFFC00  }
0x32: {  	[hbm4b:s16+s7] =	stream.linear.scatter [tilespmem:s30], [sflag:$0x1], $0x400, $0x38;
	[tilespmem:$0x13500] =	vst v63  }
0x33: {  	_ =	swait.ge [sflag:s9], $0x400  }
0x34: {  	[sflag:s9] =	ssyncset.done $0x0  }
0x35: {  	s17 =	rddreg [dreg:$0xb];
	[sflag:s9] =	ssyncadd.s32 $0xFFFFFC00  }
0x36: {  	[hbm4b:s17+s7] =	stream.linear.scatter [tilespmem:s31], [sflag:$0x1], $0x400, $0x38;
	[tilespmem:$0x13500] =	vst v63  }
0x37: {  	_ =	swait.ge [sflag:s9], $0x400  }
0x38: {  	[sflag:s9] =	ssyncset.done $0x0  }
0x39: {  	s18 =	rddreg [dreg:$0xc];
	[sflag:s9] =	ssyncadd.s32 $0xFFFFFC00  }
0x3a: {  	[hbm4b:s18+s7] =	stream.linear.scatter [tilespmem:s6], [sflag:$0x1], $0x400, $0x38;
	[tilespmem:$0x13500] =	vst v63  }
0x3b: {  	_ =	swait.ge [sflag:s9], $0x400  }
0x3c: {  	[sflag:s9] =	ssyncset.done $0x0  }
0x3d: {  	s19 =	rddreg [dreg:$0xd];
	[sflag:s9] =	ssyncadd.s32 $0xFFFFFC00  }
0x3e: {  	[hbm4b:s19+s7] =	stream.linear.scatter [tilespmem:s0], [sflag:$0x1], $0x400, $0x38;
	[tilespmem:$0x13500] =	vst v63  }
0x3f: {  	s13 =	sadd.s32 $0x1, s13;
	_ =	swait.ge [sflag:s9], $0x400  }
0x40: {  	p2 =	sne.s32 s13, s21;
	[sflag:s9] =	ssyncset.done $0x0  }
.Ltmp1:
0x41: {  	s20 =	rddreg [dreg:$0xe];
	[sflag:s9] =	ssyncadd.s32 $0xFFFFFC00;
	(pc) =	sbr.rel @!p2 .LBB2_14-.Ltmp1, $4  }
0x42: {  	[hbm4b:s20+s7] =	stream.linear.scatter [tilespmem:s12], [sflag:$0x1], $0x400, $0x38;
	[tilespmem:$0x13500] =	vst v63  }
0x43: {  	_ =	swait.ge [sflag:s9], $0x400  }
0x44: {  	[sflag:s9] =	ssyncset.done $0x0  }
0x45: {  	[sflag:s9] =	ssyncadd.s32 $0xFFFFFC00  }
.LBB2_1:
0x46: {  	s14 =	simm.s32 $0x0;
	s15 =	simm.s32 $0x40  }
.LBB2_2:
0x47: {  	p2 =	seq.s32 s15, $0xFC0;
	[tilespmem:s14+$0x13100] =	vst v0  }
0x48: {  	[tilespmem:s14+$0x11100] =	vst v0  }
0x49: {  	[tilespmem:s14+$0x11500] =	vst v0  }
0x4a: {  	[tilespmem:s14+$0x11900] =	vst v0  }
.Ltmp2:
0x4b: {  	[tilespmem:s14+$0x11D00] =	vst v0;
	(pc) =	sbr.rel @!p2 .LBB2_2-.Ltmp2, $4  }
0x4c: {  	[tilespmem:s14+$0x12100] =	vst v0  }
0x4d: {  	[tilespmem:s14+$0x12500] =	vst v0  }
0x4e: {  	[tilespmem:s14+$0x12900] =	vst v0  }
0x4f: {  	[tilespmem:s14+$0x12D00] =	vst v0;
	s14 =	sshra.s32 s15, $0x2;
	s15 =	sadd.s32 $0x40, s15  }
0x50: {  	[tilespmem:s14+$0x13100] =	vst v0  }
0x51: {  	[tilespmem:s14+$0x11100] =	vst v0  }
0x52: {  	[tilespmem:s14+$0x11500] =	vst v0  }
0x53: {  	[tilespmem:s14+$0x11900] =	vst v0  }
.Ltmp3:
0x54: {  	[tilespmem:s14+$0x11D00] =	vst v0;
	(pc) =	sbr.rel @p0 .LBB2_8-.Ltmp3, $4  }
0x55: {  	[tilespmem:s14+$0x12100] =	vst v0  }
0x56: {  	[tilespmem:s14+$0x12500] =	vst v0  }
0x57: {  	[tilespmem:s14+$0x12900] =	vst v0  }
0x58: {  	[tilespmem:s14+$0x12D00] =	vst v0  }
0x59: {  	s14 =	simm.s32 $0x0;
	s15 =	simm.s32 $0x0  }
.LBB2_5:
0x5a: {  	s16 =	smul.u32 $0x4E, s15;
	_ =	sdelay $0x1  }
0x5b: {  	s16 =	sadd.s32 s1, s16  }
0x5c: {  	s17 =	sand.u32 $0x1FFFFFF, s16  }
0x5d: {  	s17 =	sshll.u32 s17, $0x4  }
0x5e: {  	s18 =	sadd.s32 s2, s17  }
0x5f: {  	[tilespmem:s14], [sflag:$0x1] =	stream.linear.gather [hbm4b:s18+s14], $0x2700, $0x38;
	[tilespmem:$0x13500] =	vst v63  }
0x60: {  	_ =	swait.ge [sflag:s9], $0x2700  }
0x61: {  	[sflag:s9] =	ssyncset.done $0x0  }
0x62: {  	s20 =	sadd.s32 s3, s17;
	[sflag:s9] =	ssyncadd.s32 $0xFFFFD900  }
0x63: {  	[tilespmem:s22], [sflag:$0x1] =	stream.linear.gather [hbm4b:s20+s14], $0x2700, $0x38;
	[tilespmem:$0x13500] =	vst v63  }
0x64: {  	_ =	swait.ge [sflag:s9], $0x2700  }
0x65: {  	[sflag:s9] =	ssyncset.done $0x0  }
0x66: {  	s17 =	sadd.s32 s4, s17;
	[sflag:s9] =	ssyncadd.s32 $0xFFFFD900  }
0x67: {  	[tilespmem:s23], [sflag:$0x1] =	stream.linear.gather [hbm4b:s17+s14], $0x2700, $0x38;
	[tilespmem:$0x13500] =	vst v63  }
0x68: {  	s16 =	sshll.u32 s16, $0x6;
	_ =	swait.ge [sflag:s9], $0x2700  }
0x69: {  	s16 =	sand.u32 $0x1FFFFFC0, s16;
	[sflag:s9] =	ssyncset.done $0x0  }
0x6a: {  	s16 =	sadd.s32 s5, s16;
	[sflag:s9] =	ssyncadd.s32 $0xFFFFD900  }
0x6b: {  	[tilespmem:s24], [sflag:$0x1] =	stream.linear.gather [hbm4b:s16+s14], $0x9C00, $0x38;
	[tilespmem:$0x13500] =	vst v63  }
0x6c: {  	_ =	swait.ge [sflag:s9], $0x9C00  }
0x6d: {  	[sflag:s9] =	ssyncset.done $0x0  }
0x6e: {  	s17 =	simm.s32 $0x0;
	s16 =	simm.s32 $0x0;
	[sflag:s9] =	ssyncadd.s32 $0xFFFF6400  }
.LBB2_6:
0x6f: {  	s18 =	sshra.s32 s16, $0x2  }
0x70: {  	v3 =	vor.u32 s17, v1;
	v2 =	vld [tilespmem:s18+$0x0];
	_ =	sdelay $0x1  }
0x71: {  	s19 =	sand.u32 $0x70, s17;
	s20 =	sand.u32 $0xFE00, s16;
	v4 =	vld [tilespmem:s18+$0x2700]  }
0x72: {  	v5 =	vld [tilespmem:s18+$0x4E00];
	s20 =	sor.u32 s19, s20  }
0x73: {  	v6 =	vld [tilespmem:s20+$0x7500]  }
0x74: {  	v3 =	vld.idx.msk [tilespmem:v3+s23+$0x0], $0xffff;
	(xrf2) =	vadd.scan.msk.f32 $0xffff, v2  }
0x75: {  	v7 =	vld [tilespmem:s20+$0x7580]  }
0x76: {  	v8 =	vmul.f32 v4, v2;
	(xrf2) =	vadd.scan.msk.f32 $0xffff, v4  }
0x77: {  	v9 =	vld [tilespmem:s20+$0x7600]  }
0x78: {  	v10 =	vmul.f32 v6, v4;
	(xrf2) =	vadd.scan.msk.f32 $0xffff, v8  }
0x79: {  	vm3 =	vne.s32 v5, v3  }
0x7a: {  	v51 =	vmul.f32 v7, v4;
	(xrf2) =	vadd.scan.msk.f32 $0xffff, v10;
	vm2 =	vmor vm3, vm1  }
0x7b: {  	vm3 =	vmand vm3, vm0  }
0x7c: {  	v4 =	vmul.f32 v9, v4;
	(xrf2) =	vadd.scan.msk.f32 $0xffff, v51;
	_ =	sdelay $0x1  }
0x7d: {  	v6 =	vmul.f32 v6, v2;
	v52, _, _ =	vpop (xrf2);
	(xrf2) =	vadd.scan.msk.f32 $0xffff, v4  }
0x7e: {  	v53 =	vsub.f32 $0.0e+00, v52  }
0x7f: {  	v7 =	vmul.f32 v7, v2;
	[tilespmem:v5+s25+$0x0] =	vst.idx.add.f32.msk vm2, v52;
	v54, _, _ =	vpop (xrf2);
	(xrf2) =	vadd.scan.msk.f32 $0xffff, v6  }
0x80: {  	v55 =	vsub.f32 $0.0e+00, v54;
	[tilespmem:v3+s25+$0x0] =	vst.idx.add.f32.msk vm3, v53  }
0x81: {  	v2 =	vmul.f32 v9, v2;
	v56, _, _ =	vpop (xrf2);
	(xrf2) =	vadd.scan.msk.f32 $0xffff, v7;
	[tilespmem:v5+s26+$0x0] =	vst.idx.add.f32.msk vm2, v54  }
0x82: {  	v57 =	vsub.f32 $0.0e+00, v56;
	[tilespmem:v3+s26+$0x0] =	vst.idx.add.f32.msk vm3, v55  }
0x83: {  	v58, _, _ =	vpop (xrf2);
	(xrf2) =	vadd.scan.msk.f32 $0xffff, v2;
	[tilespmem:v5+s28+$0x0] =	vst.idx.add.f32.msk vm2, v56  }
0x84: {  	v2 =	vsub.f32 $0.0e+00, v58;
	[tilespmem:v3+s28+$0x0] =	vst.idx.add.f32.msk vm3, v57  }
0x85: {  	v59, _, _ =	vpop (xrf2);
	[tilespmem:v5+s29+$0x0] =	vst.idx.add.f32.msk vm2, v58  }
0x86: {  	[tilespmem:v3+s29+$0x0] =	vst.idx.add.f32.msk vm3, v2;
	v2 =	vsub.f32 $0.0e+00, v59  }
0x87: {  	v60, _, _ =	vpop (xrf2);
	[tilespmem:v5+s30+$0x0] =	vst.idx.add.f32.msk vm2, v59  }
0x88: {  	[tilespmem:v3+s30+$0x0] =	vst.idx.add.f32.msk vm3, v2;
	v2 =	vsub.f32 $0.0e+00, v60  }
0x89: {  	v61, _, _ =	vpop (xrf2);
	[tilespmem:v5+s31+$0x0] =	vst.idx.add.f32.msk vm2, v60  }
0x8a: {  	[tilespmem:v3+s31+$0x0] =	vst.idx.add.f32.msk vm3, v2;
	v2 =	vsub.f32 $0.0e+00, v61  }
0x8b: {  	p2 =	sne.s32 s17, $0x26F0;
	v62, _, _ =	vpop (xrf2);
	[tilespmem:v5+s6+$0x0] =	vst.idx.add.f32.msk vm2, v61  }
.Ltmp4:
0x8c: {  	[tilespmem:v3+s6+$0x0] =	vst.idx.add.f32.msk vm3, v2;
	v2 =	vsub.f32 $0.0e+00, v62;
	(pc) =	sbr.rel @p2 .LBB2_6-.Ltmp4, $4  }
0x8d: {  	v63, _, _ =	vpop (xrf2);
	[tilespmem:v5+s0+$0x0] =	vst.idx.add.f32.msk vm2, v62  }
0x8e: {  	[tilespmem:v3+s0+$0x0] =	vst.idx.add.f32.msk vm3, v2;
	v2 =	vsub.f32 $0.0e+00, v63  }
0x8f: {  	[tilespmem:v5+s12+$0x0] =	vst.idx.add.f32.msk vm2, v63  }
0x90: {  	s16 =	sadd.s32 $0x40, s16;
	s17 =	sadd.s32 $0x10, s17;
	[tilespmem:v3+s12+$0x0] =	vst.idx.add.f32.msk vm3, v2  }
0x91: {  	s15 =	sadd.s32 $0x1, s15  }
0x92: {  	p2 =	seq.s32 s15, s8  }
.Ltmp5:
0x93: {  	_ = 	snop;
	(pc) =	sbr.rel @!p2 .LBB2_5-.Ltmp5, $1  }
0x94: {  	_ =	sdelay $0x3  }
.LBB2_8:
.Ltmp6:
0x95: {  	(pc) =	sbr.rel @p1 .LBB2_13-.Ltmp6, $1  }
0x96: {  	_ =	sdelay $0x3  }
0x97: {  	s14 =	simm.s32 $0x0;
	s15 =	simm.s32 $0x0  }
.LBB2_10:
0x98: {  	s18 =	sadd.s32 s15, s11  }
0x99: {  	s16 =	sand.u32 $0x1FFFFFF, s18  }
0x9a: {  	s17 =	sshll.u32 s16, $0x4  }
0x9b: {  	s16 =	sadd.s32 s2, s17  }
0x9c: {  	[tilespmem:s14], [sflag:$0x1] =	stream.linear.gather [hbm4b:s16+s14], $0x80, $0x38;
	[tilespmem:$0x13500] =	vst v63  }
0x9d: {  	_ =	swait.ge [sflag:s9], $0x80  }
0x9e: {  	[sflag:s9] =	ssyncset.done $0x0  }
0x9f: {  	s19 =	sadd.s32 s3, s17;
	s16 =	simm.s32 $0x2700;
	[sflag:s9] =	ssyncadd.s32 $0xFFFFFF80  }
0xa0: {  	[tilespmem:s16], [sflag:$0x1] =	stream.linear.gather [hbm4b:s19+s14], $0x80, $0x38;
	[tilespmem:$0x13500] =	vst v63  }
0xa1: {  	_ =	swait.ge [sflag:s9], $0x80  }
0xa2: {  	[sflag:s9] =	ssyncset.done $0x0  }
0xa3: {  	s20 =	sadd.s32 s4, s17;
	s17 =	simm.s32 $0x4E00;
	[sflag:s9] =	ssyncadd.s32 $0xFFFFFF80  }
0xa4: {  	[tilespmem:s17], [sflag:$0x1] =	stream.linear.gather [hbm4b:s20+s14], $0x80, $0x38;
	[tilespmem:$0x13500] =	vst v63  }
0xa5: {  	s18 =	sshll.u32 s18, $0x6;
	_ =	swait.ge [sflag:s9], $0x80  }
0xa6: {  	s18 =	sand.u32 $0x1FFFFFC0, s18;
	[sflag:s9] =	ssyncset.done $0x0  }
0xa7: {  	s18 =	sadd.s32 s5, s18;
	[sflag:s9] =	ssyncadd.s32 $0xFFFFFF80  }
0xa8: {  	[tilespmem:s24], [sflag:$0x1] =	stream.linear.gather [hbm4b:s18+s14], $0x200, $0x38;
	[tilespmem:$0x13500] =	vst v63  }
0xa9: {  	_ =	swait.ge [sflag:s9], $0x200  }
0xaa: {  	s19 =	simm.s32 $0x0;
	[sflag:s9] =	ssyncset.done $0x0  }
0xab: {  	s20 =	simm.s32 $0x0;
	s18 =	simm.s32 $0x7600;
	[sflag:s9] =	ssyncadd.s32 $0xFFFFFE00  }
.LBB2_11:
0xac: {  	v2 =	vld [tilespmem:s19+$0x0];
	v3 =	vor.u32 s20, v1;
	_ =	sdelay $0x1  }
0xad: {  	v4 =	vld [tilespmem:s16+$0x0]  }
0xae: {  	v5 =	vld [tilespmem:s17+$0x0]  }
0xaf: {  	v6 =	vld [tilespmem:s18+$0xFFFFFF00]  }
0xb0: {  	v3 =	vld.idx.msk [tilespmem:v3+s23+$0x0], $0xffff;
	(xrf2) =	vadd.scan.msk.f32 $0xffff, v2  }
0xb1: {  	v7 =	vld [tilespmem:s18+$0xFFFFFF80]  }
0xb2: {  	v8 =	vmul.f32 v4, v2;
	(xrf2) =	vadd.scan.msk.f32 $0xffff, v4  }
0xb3: {  	v9 =	vld [tilespmem:s18+$0x0]  }
0xb4: {  	v10 =	vmul.f32 v6, v4;
	(xrf2) =	vadd.scan.msk.f32 $0xffff, v8  }
0xb5: {  	vm2 =	vne.s32 v5, v3  }
0xb6: {  	v51 =	vmul.f32 v7, v4;
	(xrf2) =	vadd.scan.msk.f32 $0xffff, v10;
	vm3 =	vmor vm2, vm1  }
0xb7: {  	vm2 =	vmand vm2, vm0  }
0xb8: {  	v4 =	vmul.f32 v9, v4;
	(xrf2) =	vadd.scan.msk.f32 $0xffff, v51;
	_ =	sdelay $0x1  }
0xb9: {  	v6 =	vmul.f32 v6, v2;
	v52, _, _ =	vpop (xrf2);
	(xrf2) =	vadd.scan.msk.f32 $0xffff, v4  }
0xba: {  	v53 =	vsub.f32 $0.0e+00, v52  }
0xbb: {  	v7 =	vmul.f32 v7, v2;
	v54, _, _ =	vpop (xrf2);
	(xrf2) =	vadd.scan.msk.f32 $0xffff, v6;
	[tilespmem:v5+s25+$0x0] =	vst.idx.add.f32.msk vm3, v52  }
0xbc: {  	v55 =	vsub.f32 $0.0e+00, v54;
	[tilespmem:v3+s25+$0x0] =	vst.idx.add.f32.msk vm2, v53  }
0xbd: {  	v2 =	vmul.f32 v9, v2;
	v56, _, _ =	vpop (xrf2);
	(xrf2) =	vadd.scan.msk.f32 $0xffff, v7;
	[tilespmem:v5+s26+$0x0] =	vst.idx.add.f32.msk vm3, v54  }
0xbe: {  	v57 =	vsub.f32 $0.0e+00, v56;
	[tilespmem:v3+s26+$0x0] =	vst.idx.add.f32.msk vm2, v55  }
0xbf: {  	v58, _, _ =	vpop (xrf2);
	(xrf2) =	vadd.scan.msk.f32 $0xffff, v2;
	[tilespmem:v5+s28+$0x0] =	vst.idx.add.f32.msk vm3, v56  }
0xc0: {  	v2 =	vsub.f32 $0.0e+00, v58;
	[tilespmem:v3+s28+$0x0] =	vst.idx.add.f32.msk vm2, v57  }
0xc1: {  	v59, _, _ =	vpop (xrf2);
	[tilespmem:v5+s29+$0x0] =	vst.idx.add.f32.msk vm3, v58  }
0xc2: {  	[tilespmem:v3+s29+$0x0] =	vst.idx.add.f32.msk vm2, v2;
	v2 =	vsub.f32 $0.0e+00, v59  }
0xc3: {  	v60, _, _ =	vpop (xrf2);
	[tilespmem:v5+s30+$0x0] =	vst.idx.add.f32.msk vm3, v59  }
0xc4: {  	[tilespmem:v3+s30+$0x0] =	vst.idx.add.f32.msk vm2, v2;
	v2 =	vsub.f32 $0.0e+00, v60  }
0xc5: {  	v61, _, _ =	vpop (xrf2);
	[tilespmem:v5+s31+$0x0] =	vst.idx.add.f32.msk vm3, v60  }
0xc6: {  	[tilespmem:v3+s31+$0x0] =	vst.idx.add.f32.msk vm2, v2;
	v2 =	vsub.f32 $0.0e+00, v61  }
0xc7: {  	p2 =	sne.s32 s20, $0x70;
	v62, _, _ =	vpop (xrf2);
	[tilespmem:v5+s6+$0x0] =	vst.idx.add.f32.msk vm3, v61  }
.Ltmp7:
0xc8: {  	[tilespmem:v3+s6+$0x0] =	vst.idx.add.f32.msk vm2, v2;
	v2 =	vsub.f32 $0.0e+00, v62;
	(pc) =	sbr.rel @p2 .LBB2_11-.Ltmp7, $4  }
0xc9: {  	v63, _, _ =	vpop (xrf2);
	[tilespmem:v5+s0+$0x0] =	vst.idx.add.f32.msk vm3, v62  }
0xca: {  	[tilespmem:v3+s0+$0x0] =	vst.idx.add.f32.msk vm2, v2;
	v2 =	vsub.f32 $0.0e+00, v63  }
0xcb: {  	s16 =	sadd.s32 $0x10, s16;
	s18 =	sadd.s32 $0x10, s18;
	[tilespmem:v5+s12+$0x0] =	vst.idx.add.f32.msk vm3, v63  }
0xcc: {  	s17 =	sadd.s32 $0x10, s17;
	s19 =	sadd.s32 $0x10, s19;
	s20 =	sadd.s32 $0x10, s20;
	[tilespmem:v3+s12+$0x0] =	vst.idx.add.f32.msk vm2, v2  }
0xcd: {  	s15 =	sadd.s32 $0x1, s15  }
0xce: {  	p2 =	slt.s32 s15, s10  }
.Ltmp8:
0xcf: {  	_ = 	snop;
	(pc) =	sbr.rel @p2 .LBB2_10-.Ltmp8, $4  }
.Ltmp9:
0xd0: {  	_ = 	snop;
	(pc) =	sbr.rel @!p2 .LBB2_13-.Ltmp9, $4  }
0xd1: {  	_ = 	snop  }
0xd2: {  	_ = 	snop  }
0xd3: {  	_ = 	snop  }
0xd4: {  	_ = 	snop  }
.LBB2_14:
0xd5: {  	_ =	sfence.sel $0x180000  }
0xd6: {  	[bflag:$0x0] =	sbarrier.arrive $0xFFFF  }
0xd7: {  	_ =	strace $0x90000047  }
0xd8: {  	s0 =	stileid.u32;
	[bflag:$0x2] =	sbarrier.arrive $0xFFFF  }
0xd9: {  	p0 =	sne.s32 s0, $0x0;
	s0 =	rddreg [dreg:$0x5]  }
0xda: {  	s0 =	sadd.s32 @!p0 $0x100000, s0  }
0xdb: {  	[sflag:s0] =	ssyncadd.tile.s32 @!p0 $0x1;
	_ =	shalt  }
.Lfunc_end2:
_tile_overlayer_lowered:
.L_overlay_start_2:
0xdc: {  	(tag) =	ssettag $0x2  }
0xdd: {  	s0 =	rddreg [dreg:$0x0];
	s2 =	stileid.u32  }
0xde: {  	s1 =	rddreg [dreg:$0x1];
	p0 =	sne.s32 s2, $0x0  }
0xdf: {  	s3 =	rddreg [dreg:$0x2];
	[bflag:$0x3] =	sbarrier.arrive $0xFFFF;
	s2 =	simm.s32 @!p0 $0x1C01  }
0xe0: {  	[timem:s3], [sflag:s2] =	dma.local @!p0 [hbm:s0], s1  }
0xe1: {  	s0 =	simm.s32 @!p0 $0x1  }
0xe2: {  	_ =	swait.ge @!p0 [sflag:s0], s1  }
0xe3: {  	s1 =	ssub.s32 @!p0 $0x0, s1;
	[sflag:s0] =	ssyncset.done @!p0 $0x0  }
0xe4: {  	[sflag:s0] =	ssyncadd.s32 @!p0 s1  }
0xe5: {  	[bflag:$0x3] =	sbarrier.arrive $0xFFFF  }
0xe6: {  	_ =	shalt  }

</sc_bundles>
